<compile_context>
chip_gen: v7x
topology: tpu7x:2x2x1
jax: 0.10.2.dev20260603
libtpu: 0.0.44.dev20260713+nightly
codegen_flags: <defaults>
</compile_context>

<pallas_src>
import functools

import jax
import jax.numpy as jnp
import numpy as np
from jax import lax
from jax.experimental import pallas as pl
from jax.experimental.pallas import tpu as pltpu
from jax.experimental.pallas import tpu_sc as plsc

D = 32
NN = 50
NNP = 56
B = 16384

_NC, _NS = 2, 16
NW = _NC * _NS

NCHUNK = 2
BC = B // NCHUNK
IDX_W = 128
N_IDX_ROWS = (BC * NNP) // IDX_W
ROWS_PER_W = N_IDX_ROWS // NW
FIRE = 8
SUPER = ROWS_PER_W // FIRE
SUPER_ROWS = FIRE * IDX_W
BPW = BC // NW
UI_ROWS = BPW // IDX_W


def _sc_gather_body(adj_idx, item_idx, user_idx, entity_tab, item_tab,
                    user_tab, nb_out, item_out, user_out,
                    idx_v, rows_v, gsem):
    wid = lax.axis_index("s") * _NC + lax.axis_index("c")

    pltpu.sync_copy(adj_idx.at[pl.ds(wid * ROWS_PER_W, ROWS_PER_W)], idx_v)

    def super_chunk(sc_i, carry):
        descs = []
        for k in range(FIRE):
            d = pltpu.async_copy(
                entity_tab.at[idx_v.at[sc_i * FIRE + k]],
                rows_v.at[pl.ds(k * IDX_W, IDX_W)],
                gsem)
            descs.append(d)
        for d in descs:
            d.wait()
        pltpu.sync_copy(
            rows_v,
            nb_out.at[pl.ds(wid * ROWS_PER_W * IDX_W + sc_i * SUPER_ROWS,
                            SUPER_ROWS)])
        return carry

    lax.fori_loop(0, SUPER, super_chunk, 0)

    for idx_hbm, tab, out in ((item_idx, item_tab, item_out),
                              (user_idx, user_tab, user_out)):
        pltpu.sync_copy(idx_hbm.at[pl.ds(wid * UI_ROWS, UI_ROWS)],
                        idx_v.at[pl.ds(0, UI_ROWS)])
        descs = []
        for k in range(UI_ROWS):
            descs.append(pltpu.async_copy(
                tab.at[idx_v.at[k]],
                rows_v.at[pl.ds(k * IDX_W, IDX_W)],
                gsem))
        for d in descs:
            d.wait()
        pltpu.sync_copy(rows_v.at[pl.ds(0, BPW)],
                        out.at[pl.ds(wid * BPW, BPW)])


@functools.lru_cache(maxsize=1)
def _sc_gather_fn():
    return pl.kernel(
        _sc_gather_body,
        out_type=(
            jax.ShapeDtypeStruct((BC * NNP, D), jnp.float32),
            jax.ShapeDtypeStruct((BC, D), jnp.float32),
            jax.ShapeDtypeStruct((BC, D), jnp.float32),
        ),
        mesh=plsc.VectorSubcoreMesh(core_axis_name="c", subcore_axis_name="s",
                                    num_cores=_NC, num_subcores=_NS),
        scratch_types=(
            pltpu.VMEM((ROWS_PER_W, IDX_W), jnp.int32),
            pltpu.VMEM((SUPER_ROWS, D), jnp.float32),
            pltpu.SemaphoreType.DMA,
        ),
        compiler_params=pltpu.CompilerParams(use_tc_tiling_on_sc=False),
    )


BBLK = 512
WID = NNP * D

_E_NP = np.zeros((NNP, WID), np.float32)
_F_NP = np.zeros((WID, D), np.float32)
for _n in range(NNP):
    _E_NP[_n, _n * D:(_n + 1) * D] = 1.0
for _j in range(WID):
    _F_NP[_j, _j % D] = 1.0


def _tc_body(nb_ref, item_ref, user_ref, wmask_ref, exp_ref, fold_ref,
             wi_ref, ab_ref, w1_ref, b1_ref, w2_ref, b2_ref,
             cwi_ref, cwr_ref, cb_ref, owu_ref, owf_ref, ob_ref, out_ref):
    f32 = jnp.float32
    dot = functools.partial(jnp.dot, preferred_element_type=f32)
    nb2 = nb_ref[...]
    item = item_ref[...]
    user = user_ref[...]

    c = dot(item, wi_ref[...])
    s = dot(nb2, wmask_ref[...]) + c + ab_ref[0, 0]
    s = jnp.where(s >= 0.0, s, 0.2 * s)
    lane = lax.broadcasted_iota(jnp.int32, (BBLK, NNP), 1)
    s = jnp.where(lane < NN, s, -1e30)
    m = jnp.max(s, axis=1, keepdims=True)
    e = jnp.exp(s - m)
    tot = jnp.sum(e, axis=1, keepdims=True)
    af = dot(e, exp_ref[...])
    na = dot(af * nb2, fold_ref[...]) / tot

    h = jnp.maximum(dot(na, w1_ref[...]) + b1_ref[...], 0.0)
    refined = dot(h, w2_ref[...]) + b2_ref[...]
    comb = jnp.maximum(
        dot(item, cwi_ref[...]) + dot(refined, cwr_ref[...]) + cb_ref[...],
        0.0)
    score = (dot(user, owu_ref[...]) + dot(comb, owf_ref[...])
             + ob_ref[0, 0])
    out_ref[...] = score


def _tc_compute(nb2, item_emb, user_emb, wmask, wi, ab, w1, b1, w2, b2,
                cwi, cwr, cb, owu, owf, ob):
    n_blocks = BC // BBLK
    small = lambda shp: pl.BlockSpec(shp, lambda i: (0, 0))
    return pl.pallas_call(
        _tc_body,
        grid=(n_blocks,),
        in_specs=[
            pl.BlockSpec((BBLK, WID), lambda i: (i, 0)),
            pl.BlockSpec((BBLK, D), lambda i: (i, 0)),
            pl.BlockSpec((BBLK, D), lambda i: (i, 0)),
            small((WID, NNP)), small((NNP, WID)), small((WID, D)),
            small((D, 1)), small((1, 1)),
            small((D, D)), small((1, D)), small((D, D)), small((1, D)),
            small((D, D)), small((D, D)), small((1, D)),
            small((D, 1)), small((D, 1)), small((1, 1)),
        ],
        out_specs=pl.BlockSpec((BBLK, 1), lambda i: (i, 0)),
        out_shape=jax.ShapeDtypeStruct((BC, 1), jnp.float32),
    )(nb2, item_emb, user_emb, wmask, jnp.asarray(_E_NP), jnp.asarray(_F_NP),
      wi, ab, w1, b1, w2, b2, cwi, cwr, cb, owu, owf, ob)


def kernel(user_indices, item_indices, kg_adj_batch, user_table, item_table,
           entity_table, attn_W, attn_b, kg_W1, kg_b1, kg_W2, kg_b2,
           comb_W, comb_b, out_W, out_b):
    adj = jnp.maximum(kg_adj_batch, 0).astype(jnp.int32)
    n_ent = entity_table.shape[0]
    filler = (lax.broadcasted_iota(jnp.int32, (B, NNP - NN), 0) * (NNP - NN)
              + lax.broadcasted_iota(jnp.int32, (B, NNP - NN), 1)) % n_ent
    adj_p = jnp.concatenate([adj, filler], axis=1)

    wn_tiled = jnp.tile(attn_W[D:, 0], NNP)
    wmask = jnp.asarray(_E_NP).T * wn_tiled[:, None]
    wi = attn_W[:D]
    ab = attn_b.reshape(1, 1)
    b1 = kg_b1.reshape(1, D)
    b2 = kg_b2.reshape(1, D)
    cwi = comb_W[:D]
    cwr = comb_W[D:]
    cb = comb_b.reshape(1, D)
    owu = out_W[:D]
    owf = out_W[D:]
    ob = out_b.reshape(1, 1)

    gather = _sc_gather_fn()
    scores = []
    for k in range(NCHUNK):
        sl = slice(k * BC, (k + 1) * BC)
        adj2 = adj_p[sl].reshape(N_IDX_ROWS, IDX_W)
        ii = item_indices[sl].astype(jnp.int32).reshape(BC // IDX_W, IDX_W)
        ui = user_indices[sl].astype(jnp.int32).reshape(BC // IDX_W, IDX_W)
        nb_flat, item_emb, user_emb = gather(
            adj2, ii, ui, entity_table, item_table, user_table)
        scores.append(_tc_compute(
            nb_flat.reshape(BC, WID), item_emb, user_emb, wmask, wi, ab,
            kg_W1, b1, kg_W2, b2, cwi, cwr, cb, owu, owf, ob))
    return jnp.concatenate(scores, axis=0)[:, 0]

# --- scband reference (transcript-rebuilt; emitter-appended) ---
"""Pipeline reference for scband-kgatenhanced-67654324846923 (READ-ONLY COPY).

The authoritative reference and input builder live on the scoring server;
editing this copy changes nothing except your own understanding.
"""

import jax, jax.numpy as jnp
import numpy as np

NUM_USERS = 100000
NUM_ITEMS = 100000
NUM_ENTITIES = 1000000
D = 32
NN = 50
B = 16384


def setup_inputs(seed: int = 0) -> dict:
    key = jax.random.key(seed)
    ks = jax.random.split(key, 16)
    s = 1.0 / np.sqrt(D)
    s2 = 1.0 / np.sqrt(2 * D)
    inp = {}
    inp['user_indices'] = jax.random.randint(ks[0], (B,), 0, NUM_USERS, dtype=jnp.int64) if jax.config.jax_enable_x64 else jax.random.randint(ks[0], (B,), 0, NUM_USERS)
    inp['item_indices'] = jax.random.randint(ks[1], (B,), 0, NUM_ITEMS)
    inp['kg_adj_batch'] = jax.random.randint(ks[2], (B, NN), 0, NUM_ENTITIES)
    inp['user_table'] = jax.random.normal(ks[3], (NUM_USERS, D), jnp.float32)
    inp['item_table'] = jax.random.normal(ks[4], (NUM_ITEMS, D), jnp.float32)
    inp['entity_table'] = jax.random.normal(ks[5], (NUM_ENTITIES, D), jnp.float32)
    inp['attn_W'] = jax.random.normal(ks[6], (2 * D, 1), jnp.float32) * s2
    inp['attn_b'] = jnp.zeros((1,), jnp.float32)
    inp['kg_W1'] = jax.random.normal(ks[7], (D, D), jnp.float32) * s
    inp['kg_b1'] = jnp.zeros((D,), jnp.float32)
    inp['kg_W2'] = jax.random.normal(ks[8], (D, D), jnp.float32) * s
    inp['kg_b2'] = jnp.zeros((D,), jnp.float32)
    inp['comb_W'] = jax.random.normal(ks[9], (2 * D, D), jnp.float32) * s2
    inp['comb_b'] = jnp.zeros((D,), jnp.float32)
    inp['out_W'] = jax.random.normal(ks[10], (2 * D, 1), jnp.float32) * s2
    inp['out_b'] = jnp.zeros((1,), jnp.float32)
    return inp


def reference(user_indices, item_indices, kg_adj_batch, user_table, item_table,
              entity_table, attn_W, attn_b, kg_W1, kg_b1, kg_W2, kg_b2,
              comb_W, comb_b, out_W, out_b):
    user_emb = jnp.take(user_table, user_indices, axis=0)            # [B, D]
    item_emb = jnp.take(item_table, item_indices, axis=0)            # [B, D]
    kg_adj_clamped = jnp.clip(kg_adj_batch, 0, None)
    neighbor_emb = jnp.take(entity_table, kg_adj_clamped, axis=0)    # [B, NN, D]
    item_rep_exp = jnp.broadcast_to(item_emb[:, None, :], (item_emb.shape[0], NN, D))
    attn_input = jnp.concatenate([item_rep_exp, neighbor_emb], axis=-1)  # [B, NN, 2D]
    attn_scores = attn_input @ attn_W + attn_b                       # [B, NN, 1]
    attn_scores = jax.nn.leaky_relu(attn_scores, negative_slope=0.2)
    attn_weights = jax.nn.softmax(attn_scores, axis=1)
    neighbor_attn = jnp.sum(attn_weights * neighbor_emb, axis=1)     # [B, D]
    h = jax.nn.relu(neighbor_attn @ kg_W1 + kg_b1)
    refined_kg = h @ kg_W2 + kg_b2                                   # [B, D]
    combined_item = jnp.concatenate([item_emb, refined_kg], axis=1)  # [B, 2D]
    final_item_rep = jax.nn.relu(combined_item @ comb_W + comb_b)    # [B, D] (dropout=0, eval)
    combined_user_item = jnp.concatenate([user_emb, final_item_rep], axis=1)  # [B, 2D]
    score = (combined_user_item @ out_W + out_b)[:, 0]               # [B]
    return score

if __name__ == "__main__":
    import jax
    _d = setup_inputs()
    print(jax.jit(kernel)(*tuple(_d.values())))

</pallas_src>

<mosaic_0001>
#map = affine_map<(d0, d1) -> (0, 0)>
module attributes {stable_mosaic.version = 14 : i64} {
  func.func @_sc_gather_body(%arg0: i32, %arg1: i32, %arg2: memref<3584x128xi32, #tpu.memory_space<hbm>>, %arg3: memref<64x128xi32, #tpu.memory_space<hbm>>, %arg4: memref<64x128xi32, #tpu.memory_space<hbm>>, %arg5: memref<1000000x32xf32, #tpu.memory_space<hbm>>, %arg6: memref<100000x32xf32, #tpu.memory_space<hbm>>, %arg7: memref<100000x32xf32, #tpu.memory_space<hbm>>, %arg8: memref<458752x32xf32, #tpu.memory_space<hbm>>, %arg9: memref<8192x32xf32, #tpu.memory_space<hbm>>, %arg10: memref<8192x32xf32, #tpu.memory_space<hbm>>, %arg11: memref<112x128xi32, #tpu.memory_space<vmem>>, %arg12: memref<1024x32xf32, #tpu.memory_space<vmem>>, %arg13: memref<!tpu.dma_semaphore, #tpu.memory_space<semaphore_mem>>) attributes {dimension_semantics = [#tpu.dimension_semantics<core_parallel>, #tpu.dimension_semantics<subcore_parallel>], iteration_bounds = array<i64: 2, 16>, scalar_prefetch = 0 : i64, scratch_operands = 3 : i64, tpu.core_type = #tpu.core_type<sc_vector_subcore>, window_params = [{transform_indices = #map}, {transform_indices = #map}, {transform_indices = #map}, {transform_indices = #map}, {transform_indices = #map}, {transform_indices = #map}, {transform_indices = #map}, {transform_indices = #map}, {transform_indices = #map}]} {
    %mul3A = arith.constant 2 : i32
    %mul3A_0 = arith.muli %arg1, %mul3A : i32
    %add3A = arith.addi %mul3A_0, %arg0 : i32
    %mul3A_1 = arith.constant 112 : i32
    %mul3A_2 = arith.muli %add3A, %mul3A_1 : i32
    "tpu.region"() ({
      %run_scoped3A = tpu.sem_alloc : memref<!tpu.dma_semaphore, #tpu.memory_space<semaphore_mem>>
      %dma_start3A_94 = arith.constant 0 : i32
      %dma_start3A_95 = tpu.memref_slice %arg2[%mul3A_2, %dma_start3A_94] : memref<3584x128xi32, #tpu.memory_space<hbm>> -> memref<112x128xi32, #tpu.memory_space<hbm>>
      %dma_start3A_96 = arith.constant 0 : i32
      %dma_start3A_97 = tpu.memref_slice %arg2[%mul3A_2, %dma_start3A_96] : memref<3584x128xi32, #tpu.memory_space<hbm>> -> memref<112x128xi32, #tpu.memory_space<hbm>>
      tpu.enqueue_dma source(%dma_start3A_97 : memref<112x128xi32, #tpu.memory_space<hbm>>) target(%arg11 : memref<112x128xi32, #tpu.memory_space<vmem>>) target_semaphore(%run_scoped3A : memref<!tpu.dma_semaphore, #tpu.memory_space<semaphore_mem>>)
      %dma_wait3A_98 = arith.constant 0 : i32
      %dma_wait3A_99 = tpu.memref_slice %arg2[%mul3A_2, %dma_wait3A_98] : memref<3584x128xi32, #tpu.memory_space<hbm>> -> memref<112x128xi32, #tpu.memory_space<hbm>>
      %dma_wait3A_100 = arith.constant 0 : i32
      %dma_wait3A_101 = tpu.memref_slice %arg2[%mul3A_2, %dma_wait3A_100] : memref<3584x128xi32, #tpu.memory_space<hbm>> -> memref<112x128xi32, #tpu.memory_space<hbm>>
      tpu.wait_dma2 semaphore(%run_scoped3A : memref<!tpu.dma_semaphore, #tpu.memory_space<semaphore_mem>>) src(%dma_wait3A_101 : memref<112x128xi32, #tpu.memory_space<hbm>>) dst(%arg11 : memref<112x128xi32, #tpu.memory_space<vmem>>)
      tpu.yield
    }) : () -> ()
    %scan3A = arith.constant 0 : i32
    %scan3A_3 = arith.constant 0 : i32
    %scan3A_4 = arith.constant 14 : i32
    %scan3A_5 = arith.addi %scan3A_3, %scan3A_4 : i32
    %scan3A_6 = arith.constant 1 : i32
    scf.for %scan3A_94 = %scan3A_3 to %scan3A_5 step %scan3A_6  : i32 {
      %mul3A_95 = arith.constant 8 : i32
      %mul3A_96 = arith.muli %scan3A_94, %mul3A_95 : i32
      %add3A_97 = arith.constant 0 : i32
      %add3A_98 = arith.addi %mul3A_96, %add3A_97 : i32
      %dma_start3A_99 = arith.constant 0 : i32
      %dma_start3A_100 = arith.constant 0 : i32
      %dma_start3A_101 = tpu.memref_slice %arg12[%dma_start3A_99, %dma_start3A_100] : memref<1024x32xf32, #tpu.memory_space<vmem>> -> memref<128x32xf32, #tpu.memory_space<vmem>>
      %dma_start3A_102 = arith.constant 0 : i32
      %dma_start3A_103 = tpu.memref_slice %arg11[%add3A_98, %dma_start3A_102] : memref<112x128xi32, #tpu.memory_space<vmem>> -> memref<1x128xi32, #tpu.memory_space<vmem>>
      %dma_start3A_104 = tpu.memref_squeeze %dma_start3A_103 : memref<1x128xi32, #tpu.memory_space<vmem>> -> memref<128xi32, #tpu.memory_space<vmem>>
      %dma_start3A_105 = arith.constant 0 : i32
      %dma_start3A_106 = arith.constant 0 : i32
      %dma_start3A_107 = tpu.memref_slice %arg5[%dma_start3A_105, %dma_start3A_106] : memref<1000000x32xf32, #tpu.memory_space<hbm>> -> memref<1000000x32xf32, #tpu.memory_space<hbm>>
      tpu.enqueue_indirect_dma source(%dma_start3A_107 : memref<1000000x32xf32, #tpu.memory_space<hbm>>) target(%dma_start3A_101 : memref<128x32xf32, #tpu.memory_space<vmem>>) offsets(%dma_start3A_104 : memref<128xi32, #tpu.memory_space<vmem>>) semaphore(%arg13 : memref<!tpu.dma_semaphore, #tpu.memory_space<semaphore_mem>>)
      %mul3A_108 = arith.constant 8 : i32
      %mul3A_109 = arith.muli %scan3A_94, %mul3A_108 : i32
      %add3A_110 = arith.constant 1 : i32
      %add3A_111 = arith.addi %mul3A_109, %add3A_110 : i32
      %dma_start3A_112 = arith.constant 128 : i32
      %dma_start3A_113 = arith.constant 0 : i32
      %dma_start3A_114 = tpu.memref_slice %arg12[%dma_start3A_112, %dma_start3A_113] : memref<1024x32xf32, #tpu.memory_space<vmem>> -> memref<128x32xf32, #tpu.memory_space<vmem>>
      %dma_start3A_115 = arith.constant 0 : i32
      %dma_start3A_116 = tpu.memref_slice %arg11[%add3A_111, %dma_start3A_115] : memref<112x128xi32, #tpu.memory_space<vmem>> -> memref<1x128xi32, #tpu.memory_space<vmem>>
      %dma_start3A_117 = tpu.memref_squeeze %dma_start3A_116 : memref<1x128xi32, #tpu.memory_space<vmem>> -> memref<128xi32, #tpu.memory_space<vmem>>
      %dma_start3A_118 = arith.constant 0 : i32
      %dma_start3A_119 = arith.constant 0 : i32
      %dma_start3A_120 = tpu.memref_slice %arg5[%dma_start3A_118, %dma_start3A_119] : memref<1000000x32xf32, #tpu.memory_space<hbm>> -> memref<1000000x32xf32, #tpu.memory_space<hbm>>
      tpu.enqueue_indirect_dma source(%dma_start3A_120 : memref<1000000x32xf32, #tpu.memory_space<hbm>>) target(%dma_start3A_114 : memref<128x32xf32, #tpu.memory_space<vmem>>) offsets(%dma_start3A_117 : memref<128xi32, #tpu.memory_space<vmem>>) semaphore(%arg13 : memref<!tpu.dma_semaphore, #tpu.memory_space<semaphore_mem>>)
      %mul3A_121 = arith.constant 8 : i32
      %mul3A_122 = arith.muli %scan3A_94, %mul3A_121 : i32
      %add3A_123 = arith.constant 2 : i32
      %add3A_124 = arith.addi %mul3A_122, %add3A_123 : i32
      %dma_start3A_125 = arith.constant 256 : i32
      %dma_start3A_126 = arith.constant 0 : i32
      %dma_start3A_127 = tpu.memref_slice %arg12[%dma_start3A_125, %dma_start3A_126] : memref<1024x32xf32, #tpu.memory_space<vmem>> -> memref<128x32xf32, #tpu.memory_space<vmem>>
      %dma_start3A_128 = arith.constant 0 : i32
      %dma_start3A_129 = tpu.memref_slice %arg11[%add3A_124, %dma_start3A_128] : memref<112x128xi32, #tpu.memory_space<vmem>> -> memref<1x128xi32, #tpu.memory_space<vmem>>
      %dma_start3A_130 = tpu.memref_squeeze %dma_start3A_129 : memref<1x128xi32, #tpu.memory_space<vmem>> -> memref<128xi32, #tpu.memory_space<vmem>>
      %dma_start3A_131 = arith.constant 0 : i32
      %dma_start3A_132 = arith.constant 0 : i32
      %dma_start3A_133 = tpu.memref_slice %arg5[%dma_start3A_131, %dma_start3A_132] : memref<1000000x32xf32, #tpu.memory_space<hbm>> -> memref<1000000x32xf32, #tpu.memory_space<hbm>>
      tpu.enqueue_indirect_dma source(%dma_start3A_133 : memref<1000000x32xf32, #tpu.memory_space<hbm>>) target(%dma_start3A_127 : memref<128x32xf32, #tpu.memory_space<vmem>>) offsets(%dma_start3A_130 : memref<128xi32, #tpu.memory_space<vmem>>) semaphore(%arg13 : memref<!tpu.dma_semaphore, #tpu.memory_space<semaphore_mem>>)
      %mul3A_134 = arith.constant 8 : i32
      %mul3A_135 = arith.muli %scan3A_94, %mul3A_134 : i32
      %add3A_136 = arith.constant 3 : i32
      %add3A_137 = arith.addi %mul3A_135, %add3A_136 : i32
      %dma_start3A_138 = arith.constant 384 : i32
      %dma_start3A_139 = arith.constant 0 : i32
      %dma_start3A_140 = tpu.memref_slice %arg12[%dma_start3A_138, %dma_start3A_139] : memref<1024x32xf32, #tpu.memory_space<vmem>> -> memref<128x32xf32, #tpu.memory_space<vmem>>
      %dma_start3A_141 = arith.constant 0 : i32
      %dma_start3A_142 = tpu.memref_slice %arg11[%add3A_137, %dma_start3A_141] : memref<112x128xi32, #tpu.memory_space<vmem>> -> memref<1x128xi32, #tpu.memory_space<vmem>>
      %dma_start3A_143 = tpu.memref_squeeze %dma_start3A_142 : memref<1x128xi32, #tpu.memory_space<vmem>> -> memref<128xi32, #tpu.memory_space<vmem>>
      %dma_start3A_144 = arith.constant 0 : i32
      %dma_start3A_145 = arith.constant 0 : i32
      %dma_start3A_146 = tpu.memref_slice %arg5[%dma_start3A_144, %dma_start3A_145] : memref<1000000x32xf32, #tpu.memory_space<hbm>> -> memref<1000000x32xf32, #tpu.memory_space<hbm>>
      tpu.enqueue_indirect_dma source(%dma_start3A_146 : memref<1000000x32xf32, #tpu.memory_space<hbm>>) target(%dma_start3A_140 : memref<128x32xf32, #tpu.memory_space<vmem>>) offsets(%dma_start3A_143 : memref<128xi32, #tpu.memory_space<vmem>>) semaphore(%arg13 : memref<!tpu.dma_semaphore, #tpu.memory_space<semaphore_mem>>)
      %mul3A_147 = arith.constant 8 : i32
      %mul3A_148 = arith.muli %scan3A_94, %mul3A_147 : i32
      %add3A_149 = arith.constant 4 : i32
      %add3A_150 = arith.addi %mul3A_148, %add3A_149 : i32
      %dma_start3A_151 = arith.constant 512 : i32
      %dma_start3A_152 = arith.constant 0 : i32
      %dma_start3A_153 = tpu.memref_slice %arg12[%dma_start3A_151, %dma_start3A_152] : memref<1024x32xf32, #tpu.memory_space<vmem>> -> memref<128x32xf32, #tpu.memory_space<vmem>>
      %dma_start3A_154 = arith.constant 0 : i32
      %dma_start3A_155 = tpu.memref_slice %arg11[%add3A_150, %dma_start3A_154] : memref<112x128xi32, #tpu.memory_space<vmem>> -> memref<1x128xi32, #tpu.memory_space<vmem>>
      %dma_start3A_156 = tpu.memref_squeeze %dma_start3A_155 : memref<1x128xi32, #tpu.memory_space<vmem>> -> memref<128xi32, #tpu.memory_space<vmem>>
      %dma_start3A_157 = arith.constant 0 : i32
      %dma_start3A_158 = arith.constant 0 : i32
      %dma_start3A_159 = tpu.memref_slice %arg5[%dma_start3A_157, %dma_start3A_158] : memref<1000000x32xf32, #tpu.memory_space<hbm>> -> memref<1000000x32xf32, #tpu.memory_space<hbm>>
      tpu.enqueue_indirect_dma source(%dma_start3A_159 : memref<1000000x32xf32, #tpu.memory_space<hbm>>) target(%dma_start3A_153 : memref<128x32xf32, #tpu.memory_space<vmem>>) offsets(%dma_start3A_156 : memref<128xi32, #tpu.memory_space<vmem>>) semaphore(%arg13 : memref<!tpu.dma_semaphore, #tpu.memory_space<semaphore_mem>>)
      %mul3A_160 = arith.constant 8 : i32
      %mul3A_161 = arith.muli %scan3A_94, %mul3A_160 : i32
      %add3A_162 = arith.constant 5 : i32
      %add3A_163 = arith.addi %mul3A_161, %add3A_162 : i32
      %dma_start3A_164 = arith.constant 640 : i32
      %dma_start3A_165 = arith.constant 0 : i32
      %dma_start3A_166 = tpu.memref_slice %arg12[%dma_start3A_164, %dma_start3A_165] : memref<1024x32xf32, #tpu.memory_space<vmem>> -> memref<128x32xf32, #tpu.memory_space<vmem>>
      %dma_start3A_167 = arith.constant 0 : i32
      %dma_start3A_168 = tpu.memref_slice %arg11[%add3A_163, %dma_start3A_167] : memref<112x128xi32, #tpu.memory_space<vmem>> -> memref<1x128xi32, #tpu.memory_space<vmem>>
      %dma_start3A_169 = tpu.memref_squeeze %dma_start3A_168 : memref<1x128xi32, #tpu.memory_space<vmem>> -> memref<128xi32, #tpu.memory_space<vmem>>
      %dma_start3A_170 = arith.constant 0 : i32
      %dma_start3A_171 = arith.constant 0 : i32
      %dma_start3A_172 = tpu.memref_slice %arg5[%dma_start3A_170, %dma_start3A_171] : memref<1000000x32xf32, #tpu.memory_space<hbm>> -> memref<1000000x32xf32, #tpu.memory_space<hbm>>
      tpu.enqueue_indirect_dma source(%dma_start3A_172 : memref<1000000x32xf32, #tpu.memory_space<hbm>>) target(%dma_start3A_166 : memref<128x32xf32, #tpu.memory_space<vmem>>) offsets(%dma_start3A_169 : memref<128xi32, #tpu.memory_space<vmem>>) semaphore(%arg13 : memref<!tpu.dma_semaphore, #tpu.memory_space<semaphore_mem>>)
      %mul3A_173 = arith.constant 8 : i32
      %mul3A_174 = arith.muli %scan3A_94, %mul3A_173 : i32
      %add3A_175 = arith.constant 6 : i32
      %add3A_176 = arith.addi %mul3A_174, %add3A_175 : i32
      %dma_start3A_177 = arith.constant 768 : i32
      %dma_start3A_178 = arith.constant 0 : i32
      %dma_start3A_179 = tpu.memref_slice %arg12[%dma_start3A_177, %dma_start3A_178] : memref<1024x32xf32, #tpu.memory_space<vmem>> -> memref<128x32xf32, #tpu.memory_space<vmem>>
      %dma_start3A_180 = arith.constant 0 : i32
      %dma_start3A_181 = tpu.memref_slice %arg11[%add3A_176, %dma_start3A_180] : memref<112x128xi32, #tpu.memory_space<vmem>> -> memref<1x128xi32, #tpu.memory_space<vmem>>
      %dma_start3A_182 = tpu.memref_squeeze %dma_start3A_181 : memref<1x128xi32, #tpu.memory_space<vmem>> -> memref<128xi32, #tpu.memory_space<vmem>>
      %dma_start3A_183 = arith.constant 0 : i32
      %dma_start3A_184 = arith.constant 0 : i32
      %dma_start3A_185 = tpu.memref_slice %arg5[%dma_start3A_183, %dma_start3A_184] : memref<1000000x32xf32, #tpu.memory_space<hbm>> -> memref<1000000x32xf32, #tpu.memory_space<hbm>>
      tpu.enqueue_indirect_dma source(%dma_start3A_185 : memref<1000000x32xf32, #tpu.memory_space<hbm>>) target(%dma_start3A_179 : memref<128x32xf32, #tpu.memory_space<vmem>>) offsets(%dma_start3A_182 : memref<128xi32, #tpu.memory_space<vmem>>) semaphore(%arg13 : memref<!tpu.dma_semaphore, #tpu.memory_space<semaphore_mem>>)
      %mul3A_186 = arith.constant 8 : i32
      %mul3A_187 = arith.muli %scan3A_94, %mul3A_186 : i32
      %add3A_188 = arith.constant 7 : i32
      %add3A_189 = arith.addi %mul3A_187, %add3A_188 : i32
      %dma_start3A_190 = arith.constant 896 : i32
      %dma_start3A_191 = arith.constant 0 : i32
      %dma_start3A_192 = tpu.memref_slice %arg12[%dma_start3A_190, %dma_start3A_191] : memref<1024x32xf32, #tpu.memory_space<vmem>> -> memref<128x32xf32, #tpu.memory_space<vmem>>
      %dma_start3A_193 = arith.constant 0 : i32
      %dma_start3A_194 = tpu.memref_slice %arg11[%add3A_189, %dma_start3A_193] : memref<112x128xi32, #tpu.memory_space<vmem>> -> memref<1x128xi32, #tpu.memory_space<vmem>>
      %dma_start3A_195 = tpu.memref_squeeze %dma_start3A_194 : memref<1x128xi32, #tpu.memory_space<vmem>> -> memref<128xi32, #tpu.memory_space<vmem>>
      %dma_start3A_196 = arith.constant 0 : i32
      %dma_start3A_197 = arith.constant 0 : i32
      %dma_start3A_198 = tpu.memref_slice %arg5[%dma_start3A_196, %dma_start3A_197] : memref<1000000x32xf32, #tpu.memory_space<hbm>> -> memref<1000000x32xf32, #tpu.memory_space<hbm>>
      tpu.enqueue_indirect_dma source(%dma_start3A_198 : memref<1000000x32xf32, #tpu.memory_space<hbm>>) target(%dma_start3A_192 : memref<128x32xf32, #tpu.memory_space<vmem>>) offsets(%dma_start3A_195 : memref<128xi32, #tpu.memory_space<vmem>>) semaphore(%arg13 : memref<!tpu.dma_semaphore, #tpu.memory_space<semaphore_mem>>)
      %dma_wait3A_199 = arith.constant 0 : i32
      %dma_wait3A_200 = arith.constant 0 : i32
      %dma_wait3A_201 = tpu.memref_slice %arg12[%dma_wait3A_199, %dma_wait3A_200] : memref<1024x32xf32, #tpu.memory_space<vmem>> -> memref<128x32xf32, #tpu.memory_space<vmem>>
      %dma_wait3A_202 = arith.constant 0 : i32
      %dma_wait3A_203 = tpu.memref_slice %arg11[%add3A_98, %dma_wait3A_202] : memref<112x128xi32, #tpu.memory_space<vmem>> -> memref<1x128xi32, #tpu.memory_space<vmem>>
      %dma_wait3A_204 = tpu.memref_squeeze %dma_wait3A_203 : memref<1x128xi32, #tpu.memory_space<vmem>> -> memref<128xi32, #tpu.memory_space<vmem>>
      %dma_wait3A_205 = arith.constant 0 : i32
      %dma_wait3A_206 = arith.constant 0 : i32
      %dma_wait3A_207 = tpu.memref_slice %arg5[%dma_wait3A_205, %dma_wait3A_206] : memref<1000000x32xf32, #tpu.memory_space<hbm>> -> memref<1000000x32xf32, #tpu.memory_space<hbm>>
      tpu.wait_indirect_dma semaphore(%arg13 : memref<!tpu.dma_semaphore, #tpu.memory_space<semaphore_mem>>) src(%dma_wait3A_207 : memref<1000000x32xf32, #tpu.memory_space<hbm>>) dst(%dma_wait3A_201 : memref<128x32xf32, #tpu.memory_space<vmem>>)
      %dma_wait3A_208 = arith.constant 128 : i32
      %dma_wait3A_209 = arith.constant 0 : i32
      %dma_wait3A_210 = tpu.memref_slice %arg12[%dma_wait3A_208, %dma_wait3A_209] : memref<1024x32xf32, #tpu.memory_space<vmem>> -> memref<128x32xf32, #tpu.memory_space<vmem>>
      %dma_wait3A_211 = arith.constant 0 : i32
      %dma_wait3A_212 = tpu.memref_slice %arg11[%add3A_111, %dma_wait3A_211] : memref<112x128xi32, #tpu.memory_space<vmem>> -> memref<1x128xi32, #tpu.memory_space<vmem>>
      %dma_wait3A_213 = tpu.memref_squeeze %dma_wait3A_212 : memref<1x128xi32, #tpu.memory_space<vmem>> -> memref<128xi32, #tpu.memory_space<vmem>>
      %dma_wait3A_214 = arith.constant 0 : i32
      %dma_wait3A_215 = arith.constant 0 : i32
      %dma_wait3A_216 = tpu.memref_slice %arg5[%dma_wait3A_214, %dma_wait3A_215] : memref<1000000x32xf32, #tpu.memory_space<hbm>> -> memref<1000000x32xf32, #tpu.memory_space<hbm>>
      tpu.wait_indirect_dma semaphore(%arg13 : memref<!tpu.dma_semaphore, #tpu.memory_space<semaphore_mem>>) src(%dma_wait3A_216 : memref<1000000x32xf32, #tpu.memory_space<hbm>>) dst(%dma_wait3A_210 : memref<128x32xf32, #tpu.memory_space<vmem>>)
      %dma_wait3A_217 = arith.constant 256 : i32
      %dma_wait3A_218 = arith.constant 0 : i32
      %dma_wait3A_219 = tpu.memref_slice %arg12[%dma_wait3A_217, %dma_wait3A_218] : memref<1024x32xf32, #tpu.memory_space<vmem>> -> memref<128x32xf32, #tpu.memory_space<vmem>>
      %dma_wait3A_220 = arith.constant 0 : i32
      %dma_wait3A_221 = tpu.memref_slice %arg11[%add3A_124, %dma_wait3A_220] : memref<112x128xi32, #tpu.memory_space<vmem>> -> memref<1x128xi32, #tpu.memory_space<vmem>>
      %dma_wait3A_222 = tpu.memref_squeeze %dma_wait3A_221 : memref<1x128xi32, #tpu.memory_space<vmem>> -> memref<128xi32, #tpu.memory_space<vmem>>
      %dma_wait3A_223 = arith.constant 0 : i32
      %dma_wait3A_224 = arith.constant 0 : i32
      %dma_wait3A_225 = tpu.memref_slice %arg5[%dma_wait3A_223, %dma_wait3A_224] : memref<1000000x32xf32, #tpu.memory_space<hbm>> -> memref<1000000x32xf32, #tpu.memory_space<hbm>>
      tpu.wait_indirect_dma semaphore(%arg13 : memref<!tpu.dma_semaphore, #tpu.memory_space<semaphore_mem>>) src(%dma_wait3A_225 : memref<1000000x32xf32, #tpu.memory_space<hbm>>) dst(%dma_wait3A_219 : memref<128x32xf32, #tpu.memory_space<vmem>>)
      %dma_wait3A_226 = arith.constant 384 : i32
      %dma_wait3A_227 = arith.constant 0 : i32
      %dma_wait3A_228 = tpu.memref_slice %arg12[%dma_wait3A_226, %dma_wait3A_227] : memref<1024x32xf32, #tpu.memory_space<vmem>> -> memref<128x32xf32, #tpu.memory_space<vmem>>
      %dma_wait3A_229 = arith.constant 0 : i32
      %dma_wait3A_230 = tpu.memref_slice %arg11[%add3A_137, %dma_wait3A_229] : memref<112x128xi32, #tpu.memory_space<vmem>> -> memref<1x128xi32, #tpu.memory_space<vmem>>
      %dma_wait3A_231 = tpu.memref_squeeze %dma_wait3A_230 : memref<1x128xi32, #tpu.memory_space<vmem>> -> memref<128xi32, #tpu.memory_space<vmem>>
      %dma_wait3A_232 = arith.constant 0 : i32
      %dma_wait3A_233 = arith.constant 0 : i32
      %dma_wait3A_234 = tpu.memref_slice %arg5[%dma_wait3A_232, %dma_wait3A_233] : memref<1000000x32xf32, #tpu.memory_space<hbm>> -> memref<1000000x32xf32, #tpu.memory_space<hbm>>
      tpu.wait_indirect_dma semaphore(%arg13 : memref<!tpu.dma_semaphore, #tpu.memory_space<semaphore_mem>>) src(%dma_wait3A_234 : memref<1000000x32xf32, #tpu.memory_space<hbm>>) dst(%dma_wait3A_228 : memref<128x32xf32, #tpu.memory_space<vmem>>)
      %dma_wait3A_235 = arith.constant 512 : i32
      %dma_wait3A_236 = arith.constant 0 : i32
      %dma_wait3A_237 = tpu.memref_slice %arg12[%dma_wait3A_235, %dma_wait3A_236] : memref<1024x32xf32, #tpu.memory_space<vmem>> -> memref<128x32xf32, #tpu.memory_space<vmem>>
      %dma_wait3A_238 = arith.constant 0 : i32
      %dma_wait3A_239 = tpu.memref_slice %arg11[%add3A_150, %dma_wait3A_238] : memref<112x128xi32, #tpu.memory_space<vmem>> -> memref<1x128xi32, #tpu.memory_space<vmem>>
      %dma_wait3A_240 = tpu.memref_squeeze %dma_wait3A_239 : memref<1x128xi32, #tpu.memory_space<vmem>> -> memref<128xi32, #tpu.memory_space<vmem>>
      %dma_wait3A_241 = arith.constant 0 : i32
      %dma_wait3A_242 = arith.constant 0 : i32
      %dma_wait3A_243 = tpu.memref_slice %arg5[%dma_wait3A_241, %dma_wait3A_242] : memref<1000000x32xf32, #tpu.memory_space<hbm>> -> memref<1000000x32xf32, #tpu.memory_space<hbm>>
      tpu.wait_indirect_dma semaphore(%arg13 : memref<!tpu.dma_semaphore, #tpu.memory_space<semaphore_mem>>) src(%dma_wait3A_243 : memref<1000000x32xf32, #tpu.memory_space<hbm>>) dst(%dma_wait3A_237 : memref<128x32xf32, #tpu.memory_space<vmem>>)
      %dma_wait3A_244 = arith.constant 640 : i32
      %dma_wait3A_245 = arith.constant 0 : i32
      %dma_wait3A_246 = tpu.memref_slice %arg12[%dma_wait3A_244, %dma_wait3A_245] : memref<1024x32xf32, #tpu.memory_space<vmem>> -> memref<128x32xf32, #tpu.memory_space<vmem>>
      %dma_wait3A_247 = arith.constant 0 : i32
      %dma_wait3A_248 = tpu.memref_slice %arg11[%add3A_163, %dma_wait3A_247] : memref<112x128xi32, #tpu.memory_space<vmem>> -> memref<1x128xi32, #tpu.memory_space<vmem>>
      %dma_wait3A_249 = tpu.memref_squeeze %dma_wait3A_248 : memref<1x128xi32, #tpu.memory_space<vmem>> -> memref<128xi32, #tpu.memory_space<vmem>>
      %dma_wait3A_250 = arith.constant 0 : i32
      %dma_wait3A_251 = arith.constant 0 : i32
      %dma_wait3A_252 = tpu.memref_slice %arg5[%dma_wait3A_250, %dma_wait3A_251] : memref<1000000x32xf32, #tpu.memory_space<hbm>> -> memref<1000000x32xf32, #tpu.memory_space<hbm>>
      tpu.wait_indirect_dma semaphore(%arg13 : memref<!tpu.dma_semaphore, #tpu.memory_space<semaphore_mem>>) src(%dma_wait3A_252 : memref<1000000x32xf32, #tpu.memory_space<hbm>>) dst(%dma_wait3A_246 : memref<128x32xf32, #tpu.memory_space<vmem>>)
      %dma_wait3A_253 = arith.constant 768 : i32
      %dma_wait3A_254 = arith.constant 0 : i32
      %dma_wait3A_255 = tpu.memref_slice %arg12[%dma_wait3A_253, %dma_wait3A_254] : memref<1024x32xf32, #tpu.memory_space<vmem>> -> memref<128x32xf32, #tpu.memory_space<vmem>>
      %dma_wait3A_256 = arith.constant 0 : i32
      %dma_wait3A_257 = tpu.memref_slice %arg11[%add3A_176, %dma_wait3A_256] : memref<112x128xi32, #tpu.memory_space<vmem>> -> memref<1x128xi32, #tpu.memory_space<vmem>>
      %dma_wait3A_258 = tpu.memref_squeeze %dma_wait3A_257 : memref<1x128xi32, #tpu.memory_space<vmem>> -> memref<128xi32, #tpu.memory_space<vmem>>
      %dma_wait3A_259 = arith.constant 0 : i32
      %dma_wait3A_260 = arith.constant 0 : i32
      %dma_wait3A_261 = tpu.memref_slice %arg5[%dma_wait3A_259, %dma_wait3A_260] : memref<1000000x32xf32, #tpu.memory_space<hbm>> -> memref<1000000x32xf32, #tpu.memory_space<hbm>>
      tpu.wait_indirect_dma semaphore(%arg13 : memref<!tpu.dma_semaphore, #tpu.memory_space<semaphore_mem>>) src(%dma_wait3A_261 : memref<1000000x32xf32, #tpu.memory_space<hbm>>) dst(%dma_wait3A_255 : memref<128x32xf32, #tpu.memory_space<vmem>>)
      %dma_wait3A_262 = arith.constant 896 : i32
      %dma_wait3A_263 = arith.constant 0 : i32
      %dma_wait3A_264 = tpu.memref_slice %arg12[%dma_wait3A_262, %dma_wait3A_263] : memref<1024x32xf32, #tpu.memory_space<vmem>> -> memref<128x32xf32, #tpu.memory_space<vmem>>
      %dma_wait3A_265 = arith.constant 0 : i32
      %dma_wait3A_266 = tpu.memref_slice %arg11[%add3A_189, %dma_wait3A_265] : memref<112x128xi32, #tpu.memory_space<vmem>> -> memref<1x128xi32, #tpu.memory_space<vmem>>
      %dma_wait3A_267 = tpu.memref_squeeze %dma_wait3A_266 : memref<1x128xi32, #tpu.memory_space<vmem>> -> memref<128xi32, #tpu.memory_space<vmem>>
      %dma_wait3A_268 = arith.constant 0 : i32
      %dma_wait3A_269 = arith.constant 0 : i32
      %dma_wait3A_270 = tpu.memref_slice %arg5[%dma_wait3A_268, %dma_wait3A_269] : memref<1000000x32xf32, #tpu.memory_space<hbm>> -> memref<1000000x32xf32, #tpu.memory_space<hbm>>
      tpu.wait_indirect_dma semaphore(%arg13 : memref<!tpu.dma_semaphore, #tpu.memory_space<semaphore_mem>>) src(%dma_wait3A_270 : memref<1000000x32xf32, #tpu.memory_space<hbm>>) dst(%dma_wait3A_264 : memref<128x32xf32, #tpu.memory_space<vmem>>)
      %mul3A_271 = arith.constant 112 : i32
      %mul3A_272 = arith.muli %add3A, %mul3A_271 : i32
      %mul3A_273 = arith.constant 128 : i32
      %mul3A_274 = arith.muli %mul3A_272, %mul3A_273 : i32
      %mul3A_275 = arith.constant 1024 : i32
      %mul3A_276 = arith.muli %scan3A_94, %mul3A_275 : i32
      %add3A_277 = arith.addi %mul3A_274, %mul3A_276 : i32
      "tpu.region"() ({
        %run_scoped3A = tpu.sem_alloc : memref<!tpu.dma_semaphore, #tpu.memory_space<semaphore_mem>>
        %dma_start3A_278 = arith.constant 0 : i32
        %dma_start3A_279 = tpu.memref_slice %arg8[%add3A_277, %dma_start3A_278] : memref<458752x32xf32, #tpu.memory_space<hbm>> -> memref<1024x32xf32, #tpu.memory_space<hbm>>
        %dma_start3A_280 = arith.constant 0 : i32
        %dma_start3A_281 = tpu.memref_slice %arg8[%add3A_277, %dma_start3A_280] : memref<458752x32xf32, #tpu.memory_space<hbm>> -> memref<1024x32xf32, #tpu.memory_space<hbm>>
        tpu.enqueue_dma source(%arg12 : memref<1024x32xf32, #tpu.memory_space<vmem>>) target(%dma_start3A_281 : memref<1024x32xf32, #tpu.memory_space<hbm>>) target_semaphore(%run_scoped3A : memref<!tpu.dma_semaphore, #tpu.memory_space<semaphore_mem>>)
        %dma_wait3A_282 = arith.constant 0 : i32
        %dma_wait3A_283 = tpu.memref_slice %arg8[%add3A_277, %dma_wait3A_282] : memref<458752x32xf32, #tpu.memory_space<hbm>> -> memref<1024x32xf32, #tpu.memory_space<hbm>>
        %dma_wait3A_284 = arith.constant 0 : i32
        %dma_wait3A_285 = tpu.memref_slice %arg8[%add3A_277, %dma_wait3A_284] : memref<458752x32xf32, #tpu.memory_space<hbm>> -> memref<1024x32xf32, #tpu.memory_space<hbm>>
        tpu.wait_dma2 semaphore(%run_scoped3A : memref<!tpu.dma_semaphore, #tpu.memory_space<semaphore_mem>>) src(%arg12 : memref<1024x32xf32, #tpu.memory_space<vmem>>) dst(%dma_wait3A_285 : memref<1024x32xf32, #tpu.memory_space<hbm>>)
        tpu.yield
      }) : () -> ()
    }
    %scan3A_7 = arith.constant 14 : i32
    %mul3A_8 = arith.constant 2 : i32
    %mul3A_9 = arith.muli %add3A, %mul3A_8 : i32
    "tpu.region"() ({
      %run_scoped3A = tpu.sem_alloc : memref<!tpu.dma_semaphore, #tpu.memory_space<semaphore_mem>>
      %dma_start3A_94 = arith.constant 0 : i32
      %dma_start3A_95 = arith.constant 0 : i32
      %dma_start3A_96 = tpu.memref_slice %arg11[%dma_start3A_94, %dma_start3A_95] : memref<112x128xi32, #tpu.memory_space<vmem>> -> memref<2x128xi32, #tpu.memory_space<vmem>>
      %dma_start3A_97 = arith.constant 0 : i32
      %dma_start3A_98 = tpu.memref_slice %arg3[%mul3A_9, %dma_start3A_97] : memref<64x128xi32, #tpu.memory_space<hbm>> -> memref<2x128xi32, #tpu.memory_space<hbm>>
      %dma_start3A_99 = arith.constant 0 : i32
      %dma_start3A_100 = arith.constant 0 : i32
      %dma_start3A_101 = tpu.memref_slice %arg11[%dma_start3A_99, %dma_start3A_100] : memref<112x128xi32, #tpu.memory_space<vmem>> -> memref<2x128xi32, #tpu.memory_space<vmem>>
      %dma_start3A_102 = arith.constant 0 : i32
      %dma_start3A_103 = tpu.memref_slice %arg3[%mul3A_9, %dma_start3A_102] : memref<64x128xi32, #tpu.memory_space<hbm>> -> memref<2x128xi32, #tpu.memory_space<hbm>>
      tpu.enqueue_dma source(%dma_start3A_103 : memref<2x128xi32, #tpu.memory_space<hbm>>) target(%dma_start3A_101 : memref<2x128xi32, #tpu.memory_space<vmem>>) target_semaphore(%run_scoped3A : memref<!tpu.dma_semaphore, #tpu.memory_space<semaphore_mem>>)
      %dma_wait3A_104 = arith.constant 0 : i32
      %dma_wait3A_105 = arith.constant 0 : i32
      %dma_wait3A_106 = tpu.memref_slice %arg11[%dma_wait3A_104, %dma_wait3A_105] : memref<112x128xi32, #tpu.memory_space<vmem>> -> memref<2x128xi32, #tpu.memory_space<vmem>>
      %dma_wait3A_107 = arith.constant 0 : i32
      %dma_wait3A_108 = tpu.memref_slice %arg3[%mul3A_9, %dma_wait3A_107] : memref<64x128xi32, #tpu.memory_space<hbm>> -> memref<2x128xi32, #tpu.memory_space<hbm>>
      %dma_wait3A_109 = arith.constant 0 : i32
      %dma_wait3A_110 = arith.constant 0 : i32
      %dma_wait3A_111 = tpu.memref_slice %arg11[%dma_wait3A_109, %dma_wait3A_110] : memref<112x128xi32, #tpu.memory_space<vmem>> -> memref<2x128xi32, #tpu.memory_space<vmem>>
      %dma_wait3A_112 = arith.constant 0 : i32
      %dma_wait3A_113 = tpu.memref_slice %arg3[%mul3A_9, %dma_wait3A_112] : memref<64x128xi32, #tpu.memory_space<hbm>> -> memref<2x128xi32, #tpu.memory_space<hbm>>
      tpu.wait_dma2 semaphore(%run_scoped3A : memref<!tpu.dma_semaphore, #tpu.memory_space<semaphore_mem>>) src(%dma_wait3A_113 : memref<2x128xi32, #tpu.memory_space<hbm>>) dst(%dma_wait3A_111 : memref<2x128xi32, #tpu.memory_space<vmem>>)
      tpu.yield
    }) : () -> ()
    %dma_start3A = arith.constant 0 : i32
    %dma_start3A_10 = arith.constant 0 : i32
    %dma_start3A_11 = arith.constant 0 : i32
    %dma_start3A_12 = tpu.memref_slice %arg12[%dma_start3A_10, %dma_start3A_11] : memref<1024x32xf32, #tpu.memory_space<vmem>> -> memref<128x32xf32, #tpu.memory_space<vmem>>
    %dma_start3A_13 = arith.constant 0 : i32
    %dma_start3A_14 = tpu.memref_slice %arg11[%dma_start3A, %dma_start3A_13] : memref<112x128xi32, #tpu.memory_space<vmem>> -> memref<1x128xi32, #tpu.memory_space<vmem>>
    %dma_start3A_15 = tpu.memref_squeeze %dma_start3A_14 : memref<1x128xi32, #tpu.memory_space<vmem>> -> memref<128xi32, #tpu.memory_space<vmem>>
    %dma_start3A_16 = arith.constant 0 : i32
    %dma_start3A_17 = arith.constant 0 : i32
    %dma_start3A_18 = tpu.memref_slice %arg6[%dma_start3A_16, %dma_start3A_17] : memref<100000x32xf32, #tpu.memory_space<hbm>> -> memref<100000x32xf32, #tpu.memory_space<hbm>>
    tpu.enqueue_indirect_dma source(%dma_start3A_18 : memref<100000x32xf32, #tpu.memory_space<hbm>>) target(%dma_start3A_12 : memref<128x32xf32, #tpu.memory_space<vmem>>) offsets(%dma_start3A_15 : memref<128xi32, #tpu.memory_space<vmem>>) semaphore(%arg13 : memref<!tpu.dma_semaphore, #tpu.memory_space<semaphore_mem>>)
    %dma_start3A_19 = arith.constant 1 : i32
    %dma_start3A_20 = arith.constant 128 : i32
    %dma_start3A_21 = arith.constant 0 : i32
    %dma_start3A_22 = tpu.memref_slice %arg12[%dma_start3A_20, %dma_start3A_21] : memref<1024x32xf32, #tpu.memory_space<vmem>> -> memref<128x32xf32, #tpu.memory_space<vmem>>
    %dma_start3A_23 = arith.constant 0 : i32
    %dma_start3A_24 = tpu.memref_slice %arg11[%dma_start3A_19, %dma_start3A_23] : memref<112x128xi32, #tpu.memory_space<vmem>> -> memref<1x128xi32, #tpu.memory_space<vmem>>
    %dma_start3A_25 = tpu.memref_squeeze %dma_start3A_24 : memref<1x128xi32, #tpu.memory_space<vmem>> -> memref<128xi32, #tpu.memory_space<vmem>>
    %dma_start3A_26 = arith.constant 0 : i32
    %dma_start3A_27 = arith.constant 0 : i32
    %dma_start3A_28 = tpu.memref_slice %arg6[%dma_start3A_26, %dma_start3A_27] : memref<100000x32xf32, #tpu.memory_space<hbm>> -> memref<100000x32xf32, #tpu.memory_space<hbm>>
    tpu.enqueue_indirect_dma source(%dma_start3A_28 : memref<100000x32xf32, #tpu.memory_space<hbm>>) target(%dma_start3A_22 : memref<128x32xf32, #tpu.memory_space<vmem>>) offsets(%dma_start3A_25 : memref<128xi32, #tpu.memory_space<vmem>>) semaphore(%arg13 : memref<!tpu.dma_semaphore, #tpu.memory_space<semaphore_mem>>)
    %dma_wait3A = arith.constant 0 : i32
    %dma_wait3A_29 = arith.constant 0 : i32
    %dma_wait3A_30 = arith.constant 0 : i32
    %dma_wait3A_31 = tpu.memref_slice %arg12[%dma_wait3A_29, %dma_wait3A_30] : memref<1024x32xf32, #tpu.memory_space<vmem>> -> memref<128x32xf32, #tpu.memory_space<vmem>>
    %dma_wait3A_32 = arith.constant 0 : i32
    %dma_wait3A_33 = tpu.memref_slice %arg11[%dma_wait3A, %dma_wait3A_32] : memref<112x128xi32, #tpu.memory_space<vmem>> -> memref<1x128xi32, #tpu.memory_space<vmem>>
    %dma_wait3A_34 = tpu.memref_squeeze %dma_wait3A_33 : memref<1x128xi32, #tpu.memory_space<vmem>> -> memref<128xi32, #tpu.memory_space<vmem>>
    %dma_wait3A_35 = arith.constant 0 : i32
    %dma_wait3A_36 = arith.constant 0 : i32
    %dma_wait3A_37 = tpu.memref_slice %arg6[%dma_wait3A_35, %dma_wait3A_36] : memref<100000x32xf32, #tpu.memory_space<hbm>> -> memref<100000x32xf32, #tpu.memory_space<hbm>>
    tpu.wait_indirect_dma semaphore(%arg13 : memref<!tpu.dma_semaphore, #tpu.memory_space<semaphore_mem>>) src(%dma_wait3A_37 : memref<100000x32xf32, #tpu.memory_space<hbm>>) dst(%dma_wait3A_31 : memref<128x32xf32, #tpu.memory_space<vmem>>)
    %dma_wait3A_38 = arith.constant 1 : i32
    %dma_wait3A_39 = arith.constant 128 : i32
    %dma_wait3A_40 = arith.constant 0 : i32
    %dma_wait3A_41 = tpu.memref_slice %arg12[%dma_wait3A_39, %dma_wait3A_40] : memref<1024x32xf32, #tpu.memory_space<vmem>> -> memref<128x32xf32, #tpu.memory_space<vmem>>
    %dma_wait3A_42 = arith.constant 0 : i32
    %dma_wait3A_43 = tpu.memref_slice %arg11[%dma_wait3A_38, %dma_wait3A_42] : memref<112x128xi32, #tpu.memory_space<vmem>> -> memref<1x128xi32, #tpu.memory_space<vmem>>
    %dma_wait3A_44 = tpu.memref_squeeze %dma_wait3A_43 : memref<1x128xi32, #tpu.memory_space<vmem>> -> memref<128xi32, #tpu.memory_space<vmem>>
    %dma_wait3A_45 = arith.constant 0 : i32
    %dma_wait3A_46 = arith.constant 0 : i32
    %dma_wait3A_47 = tpu.memref_slice %arg6[%dma_wait3A_45, %dma_wait3A_46] : memref<100000x32xf32, #tpu.memory_space<hbm>> -> memref<100000x32xf32, #tpu.memory_space<hbm>>
    tpu.wait_indirect_dma semaphore(%arg13 : memref<!tpu.dma_semaphore, #tpu.memory_space<semaphore_mem>>) src(%dma_wait3A_47 : memref<100000x32xf32, #tpu.memory_space<hbm>>) dst(%dma_wait3A_41 : memref<128x32xf32, #tpu.memory_space<vmem>>)
    %mul3A_48 = arith.constant 256 : i32
    %mul3A_49 = arith.muli %add3A, %mul3A_48 : i32
    "tpu.region"() ({
      %run_scoped3A = tpu.sem_alloc : memref<!tpu.dma_semaphore, #tpu.memory_space<semaphore_mem>>
      %dma_start3A_94 = arith.constant 0 : i32
      %dma_start3A_95 = arith.constant 0 : i32
      %dma_start3A_96 = tpu.memref_slice %arg12[%dma_start3A_94, %dma_start3A_95] : memref<1024x32xf32, #tpu.memory_space<vmem>> -> memref<256x32xf32, #tpu.memory_space<vmem>>
      %dma_start3A_97 = arith.constant 0 : i32
      %dma_start3A_98 = tpu.memref_slice %arg9[%mul3A_49, %dma_start3A_97] : memref<8192x32xf32, #tpu.memory_space<hbm>> -> memref<256x32xf32, #tpu.memory_space<hbm>>
      %dma_start3A_99 = arith.constant 0 : i32
      %dma_start3A_100 = tpu.memref_slice %arg9[%mul3A_49, %dma_start3A_99] : memref<8192x32xf32, #tpu.memory_space<hbm>> -> memref<256x32xf32, #tpu.memory_space<hbm>>
      %dma_start3A_101 = arith.constant 0 : i32
      %dma_start3A_102 = arith.constant 0 : i32
      %dma_start3A_103 = tpu.memref_slice %arg12[%dma_start3A_101, %dma_start3A_102] : memref<1024x32xf32, #tpu.memory_space<vmem>> -> memref<256x32xf32, #tpu.memory_space<vmem>>
      tpu.enqueue_dma source(%dma_start3A_103 : memref<256x32xf32, #tpu.memory_space<vmem>>) target(%dma_start3A_100 : memref<256x32xf32, #tpu.memory_space<hbm>>) target_semaphore(%run_scoped3A : memref<!tpu.dma_semaphore, #tpu.memory_space<semaphore_mem>>)
      %dma_wait3A_104 = arith.constant 0 : i32
      %dma_wait3A_105 = arith.constant 0 : i32
      %dma_wait3A_106 = tpu.memref_slice %arg12[%dma_wait3A_104, %dma_wait3A_105] : memref<1024x32xf32, #tpu.memory_space<vmem>> -> memref<256x32xf32, #tpu.memory_space<vmem>>
      %dma_wait3A_107 = arith.constant 0 : i32
      %dma_wait3A_108 = tpu.memref_slice %arg9[%mul3A_49, %dma_wait3A_107] : memref<8192x32xf32, #tpu.memory_space<hbm>> -> memref<256x32xf32, #tpu.memory_space<hbm>>
      %dma_wait3A_109 = arith.constant 0 : i32
      %dma_wait3A_110 = tpu.memref_slice %arg9[%mul3A_49, %dma_wait3A_109] : memref<8192x32xf32, #tpu.memory_space<hbm>> -> memref<256x32xf32, #tpu.memory_space<hbm>>
      %dma_wait3A_111 = arith.constant 0 : i32
      %dma_wait3A_112 = arith.constant 0 : i32
      %dma_wait3A_113 = tpu.memref_slice %arg12[%dma_wait3A_111, %dma_wait3A_112] : memref<1024x32xf32, #tpu.memory_space<vmem>> -> memref<256x32xf32, #tpu.memory_space<vmem>>
      tpu.wait_dma2 semaphore(%run_scoped3A : memref<!tpu.dma_semaphore, #tpu.memory_space<semaphore_mem>>) src(%dma_wait3A_113 : memref<256x32xf32, #tpu.memory_space<vmem>>) dst(%dma_wait3A_110 : memref<256x32xf32, #tpu.memory_space<hbm>>)
      tpu.yield
    }) : () -> ()
    %mul3A_50 = arith.constant 2 : i32
    %mul3A_51 = arith.muli %add3A, %mul3A_50 : i32
    "tpu.region"() ({
      %run_scoped3A = tpu.sem_alloc : memref<!tpu.dma_semaphore, #tpu.memory_space<semaphore_mem>>
      %dma_start3A_94 = arith.constant 0 : i32
      %dma_start3A_95 = arith.constant 0 : i32
      %dma_start3A_96 = tpu.memref_slice %arg11[%dma_start3A_94, %dma_start3A_95] : memref<112x128xi32, #tpu.memory_space<vmem>> -> memref<2x128xi32, #tpu.memory_space<vmem>>
      %dma_start3A_97 = arith.constant 0 : i32
      %dma_start3A_98 = tpu.memref_slice %arg4[%mul3A_51, %dma_start3A_97] : memref<64x128xi32, #tpu.memory_space<hbm>> -> memref<2x128xi32, #tpu.memory_space<hbm>>
      %dma_start3A_99 = arith.constant 0 : i32
      %dma_start3A_100 = arith.constant 0 : i32
      %dma_start3A_101 = tpu.memref_slice %arg11[%dma_start3A_99, %dma_start3A_100] : memref<112x128xi32, #tpu.memory_space<vmem>> -> memref<2x128xi32, #tpu.memory_space<vmem>>
      %dma_start3A_102 = arith.constant 0 : i32
      %dma_start3A_103 = tpu.memref_slice %arg4[%mul3A_51, %dma_start3A_102] : memref<64x128xi32, #tpu.memory_space<hbm>> -> memref<2x128xi32, #tpu.memory_space<hbm>>
      tpu.enqueue_dma source(%dma_start3A_103 : memref<2x128xi32, #tpu.memory_space<hbm>>) target(%dma_start3A_101 : memref<2x128xi32, #tpu.memory_space<vmem>>) target_semaphore(%run_scoped3A : memref<!tpu.dma_semaphore, #tpu.memory_space<semaphore_mem>>)
      %dma_wait3A_104 = arith.constant 0 : i32
      %dma_wait3A_105 = arith.constant 0 : i32
      %dma_wait3A_106 = tpu.memref_slice %arg11[%dma_wait3A_104, %dma_wait3A_105] : memref<112x128xi32, #tpu.memory_space<vmem>> -> memref<2x128xi32, #tpu.memory_space<vmem>>
      %dma_wait3A_107 = arith.constant 0 : i32
      %dma_wait3A_108 = tpu.memref_slice %arg4[%mul3A_51, %dma_wait3A_107] : memref<64x128xi32, #tpu.memory_space<hbm>> -> memref<2x128xi32, #tpu.memory_space<hbm>>
      %dma_wait3A_109 = arith.constant 0 : i32
      %dma_wait3A_110 = arith.constant 0 : i32
      %dma_wait3A_111 = tpu.memref_slice %arg11[%dma_wait3A_109, %dma_wait3A_110] : memref<112x128xi32, #tpu.memory_space<vmem>> -> memref<2x128xi32, #tpu.memory_space<vmem>>
      %dma_wait3A_112 = arith.constant 0 : i32
      %dma_wait3A_113 = tpu.memref_slice %arg4[%mul3A_51, %dma_wait3A_112] : memref<64x128xi32, #tpu.memory_space<hbm>> -> memref<2x128xi32, #tpu.memory_space<hbm>>
      tpu.wait_dma2 semaphore(%run_scoped3A : memref<!tpu.dma_semaphore, #tpu.memory_space<semaphore_mem>>) src(%dma_wait3A_113 : memref<2x128xi32, #tpu.memory_space<hbm>>) dst(%dma_wait3A_111 : memref<2x128xi32, #tpu.memory_space<vmem>>)
      tpu.yield
    }) : () -> ()
    %dma_start3A_52 = arith.constant 0 : i32
    %dma_start3A_53 = arith.constant 0 : i32
    %dma_start3A_54 = arith.constant 0 : i32
    %dma_start3A_55 = tpu.memref_slice %arg12[%dma_start3A_53, %dma_start3A_54] : memref<1024x32xf32, #tpu.memory_space<vmem>> -> memref<128x32xf32, #tpu.memory_space<vmem>>
    %dma_start3A_56 = arith.constant 0 : i32
    %dma_start3A_57 = tpu.memref_slice %arg11[%dma_start3A_52, %dma_start3A_56] : memref<112x128xi32, #tpu.memory_space<vmem>> -> memref<1x128xi32, #tpu.memory_space<vmem>>
    %dma_start3A_58 = tpu.memref_squeeze %dma_start3A_57 : memref<1x128xi32, #tpu.memory_space<vmem>> -> memref<128xi32, #tpu.memory_space<vmem>>
    %dma_start3A_59 = arith.constant 0 : i32
    %dma_start3A_60 = arith.constant 0 : i32
    %dma_start3A_61 = tpu.memref_slice %arg7[%dma_start3A_59, %dma_start3A_60] : memref<100000x32xf32, #tpu.memory_space<hbm>> -> memref<100000x32xf32, #tpu.memory_space<hbm>>
    tpu.enqueue_indirect_dma source(%dma_start3A_61 : memref<100000x32xf32, #tpu.memory_space<hbm>>) target(%dma_start3A_55 : memref<128x32xf32, #tpu.memory_space<vmem>>) offsets(%dma_start3A_58 : memref<128xi32, #tpu.memory_space<vmem>>) semaphore(%arg13 : memref<!tpu.dma_semaphore, #tpu.memory_space<semaphore_mem>>)
    %dma_start3A_62 = arith.constant 1 : i32
    %dma_start3A_63 = arith.constant 128 : i32
    %dma_start3A_64 = arith.constant 0 : i32
    %dma_start3A_65 = tpu.memref_slice %arg12[%dma_start3A_63, %dma_start3A_64] : memref<1024x32xf32, #tpu.memory_space<vmem>> -> memref<128x32xf32, #tpu.memory_space<vmem>>
    %dma_start3A_66 = arith.constant 0 : i32
    %dma_start3A_67 = tpu.memref_slice %arg11[%dma_start3A_62, %dma_start3A_66] : memref<112x128xi32, #tpu.memory_space<vmem>> -> memref<1x128xi32, #tpu.memory_space<vmem>>
    %dma_start3A_68 = tpu.memref_squeeze %dma_start3A_67 : memref<1x128xi32, #tpu.memory_space<vmem>> -> memref<128xi32, #tpu.memory_space<vmem>>
    %dma_start3A_69 = arith.constant 0 : i32
    %dma_start3A_70 = arith.constant 0 : i32
    %dma_start3A_71 = tpu.memref_slice %arg7[%dma_start3A_69, %dma_start3A_70] : memref<100000x32xf32, #tpu.memory_space<hbm>> -> memref<100000x32xf32, #tpu.memory_space<hbm>>
    tpu.enqueue_indirect_dma source(%dma_start3A_71 : memref<100000x32xf32, #tpu.memory_space<hbm>>) target(%dma_start3A_65 : memref<128x32xf32, #tpu.memory_space<vmem>>) offsets(%dma_start3A_68 : memref<128xi32, #tpu.memory_space<vmem>>) semaphore(%arg13 : memref<!tpu.dma_semaphore, #tpu.memory_space<semaphore_mem>>)
    %dma_wait3A_72 = arith.constant 0 : i32
    %dma_wait3A_73 = arith.constant 0 : i32
    %dma_wait3A_74 = arith.constant 0 : i32
    %dma_wait3A_75 = tpu.memref_slice %arg12[%dma_wait3A_73, %dma_wait3A_74] : memref<1024x32xf32, #tpu.memory_space<vmem>> -> memref<128x32xf32, #tpu.memory_space<vmem>>
    %dma_wait3A_76 = arith.constant 0 : i32
    %dma_wait3A_77 = tpu.memref_slice %arg11[%dma_wait3A_72, %dma_wait3A_76] : memref<112x128xi32, #tpu.memory_space<vmem>> -> memref<1x128xi32, #tpu.memory_space<vmem>>
    %dma_wait3A_78 = tpu.memref_squeeze %dma_wait3A_77 : memref<1x128xi32, #tpu.memory_space<vmem>> -> memref<128xi32, #tpu.memory_space<vmem>>
    %dma_wait3A_79 = arith.constant 0 : i32
    %dma_wait3A_80 = arith.constant 0 : i32
    %dma_wait3A_81 = tpu.memref_slice %arg7[%dma_wait3A_79, %dma_wait3A_80] : memref<100000x32xf32, #tpu.memory_space<hbm>> -> memref<100000x32xf32, #tpu.memory_space<hbm>>
    tpu.wait_indirect_dma semaphore(%arg13 : memref<!tpu.dma_semaphore, #tpu.memory_space<semaphore_mem>>) src(%dma_wait3A_81 : memref<100000x32xf32, #tpu.memory_space<hbm>>) dst(%dma_wait3A_75 : memref<128x32xf32, #tpu.memory_space<vmem>>)
    %dma_wait3A_82 = arith.constant 1 : i32
    %dma_wait3A_83 = arith.constant 128 : i32
    %dma_wait3A_84 = arith.constant 0 : i32
    %dma_wait3A_85 = tpu.memref_slice %arg12[%dma_wait3A_83, %dma_wait3A_84] : memref<1024x32xf32, #tpu.memory_space<vmem>> -> memref<128x32xf32, #tpu.memory_space<vmem>>
    %dma_wait3A_86 = arith.constant 0 : i32
    %dma_wait3A_87 = tpu.memref_slice %arg11[%dma_wait3A_82, %dma_wait3A_86] : memref<112x128xi32, #tpu.memory_space<vmem>> -> memref<1x128xi32, #tpu.memory_space<vmem>>
    %dma_wait3A_88 = tpu.memref_squeeze %dma_wait3A_87 : memref<1x128xi32, #tpu.memory_space<vmem>> -> memref<128xi32, #tpu.memory_space<vmem>>
    %dma_wait3A_89 = arith.constant 0 : i32
    %dma_wait3A_90 = arith.constant 0 : i32
    %dma_wait3A_91 = tpu.memref_slice %arg7[%dma_wait3A_89, %dma_wait3A_90] : memref<100000x32xf32, #tpu.memory_space<hbm>> -> memref<100000x32xf32, #tpu.memory_space<hbm>>
    tpu.wait_indirect_dma semaphore(%arg13 : memref<!tpu.dma_semaphore, #tpu.memory_space<semaphore_mem>>) src(%dma_wait3A_91 : memref<100000x32xf32, #tpu.memory_space<hbm>>) dst(%dma_wait3A_85 : memref<128x32xf32, #tpu.memory_space<vmem>>)
    %mul3A_92 = arith.constant 256 : i32
    %mul3A_93 = arith.muli %add3A, %mul3A_92 : i32
    "tpu.region"() ({
      %run_scoped3A = tpu.sem_alloc : memref<!tpu.dma_semaphore, #tpu.memory_space<semaphore_mem>>
      %dma_start3A_94 = arith.constant 0 : i32
      %dma_start3A_95 = arith.constant 0 : i32
      %dma_start3A_96 = tpu.memref_slice %arg12[%dma_start3A_94, %dma_start3A_95] : memref<1024x32xf32, #tpu.memory_space<vmem>> -> memref<256x32xf32, #tpu.memory_space<vmem>>
      %dma_start3A_97 = arith.constant 0 : i32
      %dma_start3A_98 = tpu.memref_slice %arg10[%mul3A_93, %dma_start3A_97] : memref<8192x32xf32, #tpu.memory_space<hbm>> -> memref<256x32xf32, #tpu.memory_space<hbm>>
      %dma_start3A_99 = arith.constant 0 : i32
      %dma_start3A_100 = tpu.memref_slice %arg10[%mul3A_93, %dma_start3A_99] : memref<8192x32xf32, #tpu.memory_space<hbm>> -> memref<256x32xf32, #tpu.memory_space<hbm>>
      %dma_start3A_101 = arith.constant 0 : i32
      %dma_start3A_102 = arith.constant 0 : i32
      %dma_start3A_103 = tpu.memref_slice %arg12[%dma_start3A_101, %dma_start3A_102] : memref<1024x32xf32, #tpu.memory_space<vmem>> -> memref<256x32xf32, #tpu.memory_space<vmem>>
      tpu.enqueue_dma source(%dma_start3A_103 : memref<256x32xf32, #tpu.memory_space<vmem>>) target(%dma_start3A_100 : memref<256x32xf32, #tpu.memory_space<hbm>>) target_semaphore(%run_scoped3A : memref<!tpu.dma_semaphore, #tpu.memory_space<semaphore_mem>>)
      %dma_wait3A_104 = arith.constant 0 : i32
      %dma_wait3A_105 = arith.constant 0 : i32
      %dma_wait3A_106 = tpu.memref_slice %arg12[%dma_wait3A_104, %dma_wait3A_105] : memref<1024x32xf32, #tpu.memory_space<vmem>> -> memref<256x32xf32, #tpu.memory_space<vmem>>
      %dma_wait3A_107 = arith.constant 0 : i32
      %dma_wait3A_108 = tpu.memref_slice %arg10[%mul3A_93, %dma_wait3A_107] : memref<8192x32xf32, #tpu.memory_space<hbm>> -> memref<256x32xf32, #tpu.memory_space<hbm>>
      %dma_wait3A_109 = arith.constant 0 : i32
      %dma_wait3A_110 = tpu.memref_slice %arg10[%mul3A_93, %dma_wait3A_109] : memref<8192x32xf32, #tpu.memory_space<hbm>> -> memref<256x32xf32, #tpu.memory_space<hbm>>
      %dma_wait3A_111 = arith.constant 0 : i32
      %dma_wait3A_112 = arith.constant 0 : i32
      %dma_wait3A_113 = tpu.memref_slice %arg12[%dma_wait3A_111, %dma_wait3A_112] : memref<1024x32xf32, #tpu.memory_space<vmem>> -> memref<256x32xf32, #tpu.memory_space<vmem>>
      tpu.wait_dma2 semaphore(%run_scoped3A : memref<!tpu.dma_semaphore, #tpu.memory_space<semaphore_mem>>) src(%dma_wait3A_113 : memref<256x32xf32, #tpu.memory_space<vmem>>) dst(%dma_wait3A_110 : memref<256x32xf32, #tpu.memory_space<hbm>>)
      tpu.yield
    }) : () -> ()
    return
  }
}

#map = affine_map<(d0, d1) -> (0, 0)>
module attributes {stable_mosaic.version = 14 : i64} {
  func.func @_sc_gather_body(%arg0: i32, %arg1: i32, %arg2: memref<3584x128xi32, #tpu.memory_space<hbm>>, %arg3: memref<64x128xi32, #tpu.memory_space<hbm>>, %arg4: memref<64x128xi32, #tpu.memory_space<hbm>>, %arg5: memref<1000000x32xf32, #tpu.memory_space<hbm>>, %arg6: memref<100000x32xf32, #tpu.memory_space<hbm>>, %arg7: memref<100000x32xf32, #tpu.memory_space<hbm>>, %arg8: memref<458752x32xf32, #tpu.memory_space<hbm>>, %arg9: memref<8192x32xf32, #tpu.memory_space<hbm>>, %arg10: memref<8192x32xf32, #tpu.memory_space<hbm>>, %arg11: memref<112x128xi32, #tpu.memory_space<vmem>>, %arg12: memref<1024x32xf32, #tpu.memory_space<vmem>>, %arg13: memref<!tpu.dma_semaphore, #tpu.memory_space<semaphore_mem>>) attributes {dimension_semantics = [#tpu.dimension_semantics<core_parallel>, #tpu.dimension_semantics<subcore_parallel>], iteration_bounds = array<i64: 2, 16>, scalar_prefetch = 0 : i64, scratch_operands = 3 : i64, tpu.core_type = #tpu.core_type<sc_vector_subcore>, window_params = [{transform_indices = #map}, {transform_indices = #map}, {transform_indices = #map}, {transform_indices = #map}, {transform_indices = #map}, {transform_indices = #map}, {transform_indices = #map}, {transform_indices = #map}, {transform_indices = #map}]} {
    %mul3A = arith.constant 2 : i32
    %mul3A_0 = arith.muli %arg1, %mul3A : i32
    %add3A = arith.addi %mul3A_0, %arg0 : i32
    %mul3A_1 = arith.constant 112 : i32
    %mul3A_2 = arith.muli %add3A, %mul3A_1 : i32
    "tpu.region"() ({
      %run_scoped3A = tpu.sem_alloc : memref<!tpu.dma_semaphore, #tpu.memory_space<semaphore_mem>>
      %dma_start3A_94 = arith.constant 0 : i32
      %dma_start3A_95 = tpu.memref_slice %arg2[%mul3A_2, %dma_start3A_94] : memref<3584x128xi32, #tpu.memory_space<hbm>> -> memref<112x128xi32, #tpu.memory_space<hbm>>
      %dma_start3A_96 = arith.constant 0 : i32
      %dma_start3A_97 = tpu.memref_slice %arg2[%mul3A_2, %dma_start3A_96] : memref<3584x128xi32, #tpu.memory_space<hbm>> -> memref<112x128xi32, #tpu.memory_space<hbm>>
      tpu.enqueue_dma source(%dma_start3A_97 : memref<112x128xi32, #tpu.memory_space<hbm>>) target(%arg11 : memref<112x128xi32, #tpu.memory_space<vmem>>) target_semaphore(%run_scoped3A : memref<!tpu.dma_semaphore, #tpu.memory_space<semaphore_mem>>)
      %dma_wait3A_98 = arith.constant 0 : i32
      %dma_wait3A_99 = tpu.memref_slice %arg2[%mul3A_2, %dma_wait3A_98] : memref<3584x128xi32, #tpu.memory_space<hbm>> -> memref<112x128xi32, #tpu.memory_space<hbm>>
      %dma_wait3A_100 = arith.constant 0 : i32
      %dma_wait3A_101 = tpu.memref_slice %arg2[%mul3A_2, %dma_wait3A_100] : memref<3584x128xi32, #tpu.memory_space<hbm>> -> memref<112x128xi32, #tpu.memory_space<hbm>>
      tpu.wait_dma2 semaphore(%run_scoped3A : memref<!tpu.dma_semaphore, #tpu.memory_space<semaphore_mem>>) src(%dma_wait3A_101 : memref<112x128xi32, #tpu.memory_space<hbm>>) dst(%arg11 : memref<112x128xi32, #tpu.memory_space<vmem>>)
      tpu.yield
    }) : () -> ()
    %scan3A = arith.constant 0 : i32
    %scan3A_3 = arith.constant 0 : i32
    %scan3A_4 = arith.constant 14 : i32
    %scan3A_5 = arith.addi %scan3A_3, %scan3A_4 : i32
    %scan3A_6 = arith.constant 1 : i32
    scf.for %scan3A_94 = %scan3A_3 to %scan3A_5 step %scan3A_6  : i32 {
      %mul3A_95 = arith.constant 8 : i32
      %mul3A_96 = arith.muli %scan3A_94, %mul3A_95 : i32
      %add3A_97 = arith.constant 0 : i32
      %add3A_98 = arith.addi %mul3A_96, %add3A_97 : i32
      %dma_start3A_99 = arith.constant 0 : i32
      %dma_start3A_100 = arith.constant 0 : i32
      %dma_start3A_101 = tpu.memref_slice %arg12[%dma_start3A_99, %dma_start3A_100] : memref<1024x32xf32, #tpu.memory_space<vmem>> -> memref<128x32xf32, #tpu.memory_space<vmem>>
      %dma_start3A_102 = arith.constant 0 : i32
      %dma_start3A_103 = tpu.memref_slice %arg11[%add3A_98, %dma_start3A_102] : memref<112x128xi32, #tpu.memory_space<vmem>> -> memref<1x128xi32, #tpu.memory_space<vmem>>
      %dma_start3A_104 = tpu.memref_squeeze %dma_start3A_103 : memref<1x128xi32, #tpu.memory_space<vmem>> -> memref<128xi32, #tpu.memory_space<vmem>>
      %dma_start3A_105 = arith.constant 0 : i32
      %dma_start3A_106 = arith.constant 0 : i32
      %dma_start3A_107 = tpu.memref_slice %arg5[%dma_start3A_105, %dma_start3A_106] : memref<1000000x32xf32, #tpu.memory_space<hbm>> -> memref<1000000x32xf32, #tpu.memory_space<hbm>>
      tpu.enqueue_indirect_dma source(%dma_start3A_107 : memref<1000000x32xf32, #tpu.memory_space<hbm>>) target(%dma_start3A_101 : memref<128x32xf32, #tpu.memory_space<vmem>>) offsets(%dma_start3A_104 : memref<128xi32, #tpu.memory_space<vmem>>) semaphore(%arg13 : memref<!tpu.dma_semaphore, #tpu.memory_space<semaphore_mem>>)
      %mul3A_108 = arith.constant 8 : i32
      %mul3A_109 = arith.muli %scan3A_94, %mul3A_108 : i32
      %add3A_110 = arith.constant 1 : i32
      %add3A_111 = arith.addi %mul3A_109, %add3A_110 : i32
      %dma_start3A_112 = arith.constant 128 : i32
      %dma_start3A_113 = arith.constant 0 : i32
      %dma_start3A_114 = tpu.memref_slice %arg12[%dma_start3A_112, %dma_start3A_113] : memref<1024x32xf32, #tpu.memory_space<vmem>> -> memref<128x32xf32, #tpu.memory_space<vmem>>
      %dma_start3A_115 = arith.constant 0 : i32
      %dma_start3A_116 = tpu.memref_slice %arg11[%add3A_111, %dma_start3A_115] : memref<112x128xi32, #tpu.memory_space<vmem>> -> memref<1x128xi32, #tpu.memory_space<vmem>>
      %dma_start3A_117 = tpu.memref_squeeze %dma_start3A_116 : memref<1x128xi32, #tpu.memory_space<vmem>> -> memref<128xi32, #tpu.memory_space<vmem>>
      %dma_start3A_118 = arith.constant 0 : i32
      %dma_start3A_119 = arith.constant 0 : i32
      %dma_start3A_120 = tpu.memref_slice %arg5[%dma_start3A_118, %dma_start3A_119] : memref<1000000x32xf32, #tpu.memory_space<hbm>> -> memref<1000000x32xf32, #tpu.memory_space<hbm>>
      tpu.enqueue_indirect_dma source(%dma_start3A_120 : memref<1000000x32xf32, #tpu.memory_space<hbm>>) target(%dma_start3A_114 : memref<128x32xf32, #tpu.memory_space<vmem>>) offsets(%dma_start3A_117 : memref<128xi32, #tpu.memory_space<vmem>>) semaphore(%arg13 : memref<!tpu.dma_semaphore, #tpu.memory_space<semaphore_mem>>)
      %mul3A_121 = arith.constant 8 : i32
      %mul3A_122 = arith.muli %scan3A_94, %mul3A_121 : i32
      %add3A_123 = arith.constant 2 : i32
      %add3A_124 = arith.addi %mul3A_122, %add3A_123 : i32
      %dma_start3A_125 = arith.constant 256 : i32
      %dma_start3A_126 = arith.constant 0 : i32
      %dma_start3A_127 = tpu.memref_slice %arg12[%dma_start3A_125, %dma_start3A_126] : memref<1024x32xf32, #tpu.memory_space<vmem>> -> memref<128x32xf32, #tpu.memory_space<vmem>>
      %dma_start3A_128 = arith.constant 0 : i32
      %dma_start3A_129 = tpu.memref_slice %arg11[%add3A_124, %dma_start3A_128] : memref<112x128xi32, #tpu.memory_space<vmem>> -> memref<1x128xi32, #tpu.memory_space<vmem>>
      %dma_start3A_130 = tpu.memref_squeeze %dma_start3A_129 : memref<1x128xi32, #tpu.memory_space<vmem>> -> memref<128xi32, #tpu.memory_space<vmem>>
      %dma_start3A_131 = arith.constant 0 : i32
      %dma_start3A_132 = arith.constant 0 : i32
      %dma_start3A_133 = tpu.memref_slice %arg5[%dma_start3A_131, %dma_start3A_132] : memref<1000000x32xf32, #tpu.memory_space<hbm>> -> memref<1000000x32xf32, #tpu.memory_space<hbm>>
      tpu.enqueue_indirect_dma source(%dma_start3A_133 : memref<1000000x32xf32, #tpu.memory_space<hbm>>) target(%dma_start3A_127 : memref<128x32xf32, #tpu.memory_space<vmem>>) offsets(%dma_start3A_130 : memref<128xi32, #tpu.memory_space<vmem>>) semaphore(%arg13 : memref<!tpu.dma_semaphore, #tpu.memory_space<semaphore_mem>>)
      %mul3A_134 = arith.constant 8 : i32
      %mul3A_135 = arith.muli %scan3A_94, %mul3A_134 : i32
      %add3A_136 = arith.constant 3 : i32
      %add3A_137 = arith.addi %mul3A_135, %add3A_136 : i32
      %dma_start3A_138 = arith.constant 384 : i32
      %dma_start3A_139 = arith.constant 0 : i32
      %dma_start3A_140 = tpu.memref_slice %arg12[%dma_start3A_138, %dma_start3A_139] : memref<1024x32xf32, #tpu.memory_space<vmem>> -> memref<128x32xf32, #tpu.memory_space<vmem>>
      %dma_start3A_141 = arith.constant 0 : i32
      %dma_start3A_142 = tpu.memref_slice %arg11[%add3A_137, %dma_start3A_141] : memref<112x128xi32, #tpu.memory_space<vmem>> -> memref<1x128xi32, #tpu.memory_space<vmem>>
      %dma_start3A_143 = tpu.memref_squeeze %dma_start3A_142 : memref<1x128xi32, #tpu.memory_space<vmem>> -> memref<128xi32, #tpu.memory_space<vmem>>
      %dma_start3A_144 = arith.constant 0 : i32
      %dma_start3A_145 = arith.constant 0 : i32
      %dma_start3A_146 = tpu.memref_slice %arg5[%dma_start3A_144, %dma_start3A_145] : memref<1000000x32xf32, #tpu.memory_space<hbm>> -> memref<1000000x32xf32, #tpu.memory_space<hbm>>
      tpu.enqueue_indirect_dma source(%dma_start3A_146 : memref<1000000x32xf32, #tpu.memory_space<hbm>>) target(%dma_start3A_140 : memref<128x32xf32, #tpu.memory_space<vmem>>) offsets(%dma_start3A_143 : memref<128xi32, #tpu.memory_space<vmem>>) semaphore(%arg13 : memref<!tpu.dma_semaphore, #tpu.memory_space<semaphore_mem>>)
      %mul3A_147 = arith.constant 8 : i32
      %mul3A_148 = arith.muli %scan3A_94, %mul3A_147 : i32
      %add3A_149 = arith.constant 4 : i32
      %add3A_150 = arith.addi %mul3A_148, %add3A_149 : i32
      %dma_start3A_151 = arith.constant 512 : i32
      %dma_start3A_152 = arith.constant 0 : i32
      %dma_start3A_153 = tpu.memref_slice %arg12[%dma_start3A_151, %dma_start3A_152] : memref<1024x32xf32, #tpu.memory_space<vmem>> -> memref<128x32xf32, #tpu.memory_space<vmem>>
      %dma_start3A_154 = arith.constant 0 : i32
      %dma_start3A_155 = tpu.memref_slice %arg11[%add3A_150, %dma_start3A_154] : memref<112x128xi32, #tpu.memory_space<vmem>> -> memref<1x128xi32, #tpu.memory_space<vmem>>
      %dma_start3A_156 = tpu.memref_squeeze %dma_start3A_155 : memref<1x128xi32, #tpu.memory_space<vmem>> -> memref<128xi32, #tpu.memory_space<vmem>>
      %dma_start3A_157 = arith.constant 0 : i32
      %dma_start3A_158 = arith.constant 0 : i32
      %dma_start3A_159 = tpu.memref_slice %arg5[%dma_start3A_157, %dma_start3A_158] : memref<1000000x32xf32, #tpu.memory_space<hbm>> -> memref<1000000x32xf32, #tpu.memory_space<hbm>>
      tpu.enqueue_indirect_dma source(%dma_start3A_159 : memref<1000000x32xf32, #tpu.memory_space<hbm>>) target(%dma_start3A_153 : memref<128x32xf32, #tpu.memory_space<vmem>>) offsets(%dma_start3A_156 : memref<128xi32, #tpu.memory_space<vmem>>) semaphore(%arg13 : memref<!tpu.dma_semaphore, #tpu.memory_space<semaphore_mem>>)
      %mul3A_160 = arith.constant 8 : i32
      %mul3A_161 = arith.muli %scan3A_94, %mul3A_160 : i32
      %add3A_162 = arith.constant 5 : i32
      %add3A_163 = arith.addi %mul3A_161, %add3A_162 : i32
      %dma_start3A_164 = arith.constant 640 : i32
      %dma_start3A_165 = arith.constant 0 : i32
      %dma_start3A_166 = tpu.memref_slice %arg12[%dma_start3A_164, %dma_start3A_165] : memref<1024x32xf32, #tpu.memory_space<vmem>> -> memref<128x32xf32, #tpu.memory_space<vmem>>
      %dma_start3A_167 = arith.constant 0 : i32
      %dma_start3A_168 = tpu.memref_slice %arg11[%add3A_163, %dma_start3A_167] : memref<112x128xi32, #tpu.memory_space<vmem>> -> memref<1x128xi32, #tpu.memory_space<vmem>>
      %dma_start3A_169 = tpu.memref_squeeze %dma_start3A_168 : memref<1x128xi32, #tpu.memory_space<vmem>> -> memref<128xi32, #tpu.memory_space<vmem>>
      %dma_start3A_170 = arith.constant 0 : i32
      %dma_start3A_171 = arith.constant 0 : i32
      %dma_start3A_172 = tpu.memref_slice %arg5[%dma_start3A_170, %dma_start3A_171] : memref<1000000x32xf32, #tpu.memory_space<hbm>> -> memref<1000000x32xf32, #tpu.memory_space<hbm>>
      tpu.enqueue_indirect_dma source(%dma_start3A_172 : memref<1000000x32xf32, #tpu.memory_space<hbm>>) target(%dma_start3A_166 : memref<128x32xf32, #tpu.memory_space<vmem>>) offsets(%dma_start3A_169 : memref<128xi32, #tpu.memory_space<vmem>>) semaphore(%arg13 : memref<!tpu.dma_semaphore, #tpu.memory_space<semaphore_mem>>)
      %mul3A_173 = arith.constant 8 : i32
      %mul3A_174 = arith.muli %scan3A_94, %mul3A_173 : i32
      %add3A_175 = arith.constant 6 : i32
      %add3A_176 = arith.addi %mul3A_174, %add3A_175 : i32
      %dma_start3A_177 = arith.constant 768 : i32
      %dma_start3A_178 = arith.constant 0 : i32
      %dma_start3A_179 = tpu.memref_slice %arg12[%dma_start3A_177, %dma_start3A_178] : memref<1024x32xf32, #tpu.memory_space<vmem>> -> memref<128x32xf32, #tpu.memory_space<vmem>>
      %dma_start3A_180 = arith.constant 0 : i32
      %dma_start3A_181 = tpu.memref_slice %arg11[%add3A_176, %dma_start3A_180] : memref<112x128xi32, #tpu.memory_space<vmem>> -> memref<1x128xi32, #tpu.memory_space<vmem>>
      %dma_start3A_182 = tpu.memref_squeeze %dma_start3A_181 : memref<1x128xi32, #tpu.memory_space<vmem>> -> memref<128xi32, #tpu.memory_space<vmem>>
      %dma_start3A_183 = arith.constant 0 : i32
      %dma_start3A_184 = arith.constant 0 : i32
      %dma_start3A_185 = tpu.memref_slice %arg5[%dma_start3A_183, %dma_start3A_184] : memref<1000000x32xf32, #tpu.memory_space<hbm>> -> memref<1000000x32xf32, #tpu.memory_space<hbm>>
      tpu.enqueue_indirect_dma source(%dma_start3A_185 : memref<1000000x32xf32, #tpu.memory_space<hbm>>) target(%dma_start3A_179 : memref<128x32xf32, #tpu.memory_space<vmem>>) offsets(%dma_start3A_182 : memref<128xi32, #tpu.memory_space<vmem>>) semaphore(%arg13 : memref<!tpu.dma_semaphore, #tpu.memory_space<semaphore_mem>>)
      %mul3A_186 = arith.constant 8 : i32
      %mul3A_187 = arith.muli %scan3A_94, %mul3A_186 : i32
      %add3A_188 = arith.constant 7 : i32
      %add3A_189 = arith.addi %mul3A_187, %add3A_188 : i32
      %dma_start3A_190 = arith.constant 896 : i32
      %dma_start3A_191 = arith.constant 0 : i32
      %dma_start3A_192 = tpu.memref_slice %arg12[%dma_start3A_190, %dma_start3A_191] : memref<1024x32xf32, #tpu.memory_space<vmem>> -> memref<128x32xf32, #tpu.memory_space<vmem>>
      %dma_start3A_193 = arith.constant 0 : i32
      %dma_start3A_194 = tpu.memref_slice %arg11[%add3A_189, %dma_start3A_193] : memref<112x128xi32, #tpu.memory_space<vmem>> -> memref<1x128xi32, #tpu.memory_space<vmem>>
      %dma_start3A_195 = tpu.memref_squeeze %dma_start3A_194 : memref<1x128xi32, #tpu.memory_space<vmem>> -> memref<128xi32, #tpu.memory_space<vmem>>
      %dma_start3A_196 = arith.constant 0 : i32
      %dma_start3A_197 = arith.constant 0 : i32
      %dma_start3A_198 = tpu.memref_slice %arg5[%dma_start3A_196, %dma_start3A_197] : memref<1000000x32xf32, #tpu.memory_space<hbm>> -> memref<1000000x32xf32, #tpu.memory_space<hbm>>
      tpu.enqueue_indirect_dma source(%dma_start3A_198 : memref<1000000x32xf32, #tpu.memory_space<hbm>>) target(%dma_start3A_192 : memref<128x32xf32, #tpu.memory_space<vmem>>) offsets(%dma_start3A_195 : memref<128xi32, #tpu.memory_space<vmem>>) semaphore(%arg13 : memref<!tpu.dma_semaphore, #tpu.memory_space<semaphore_mem>>)
      %dma_wait3A_199 = arith.constant 0 : i32
      %dma_wait3A_200 = arith.constant 0 : i32
      %dma_wait3A_201 = tpu.memref_slice %arg12[%dma_wait3A_199, %dma_wait3A_200] : memref<1024x32xf32, #tpu.memory_space<vmem>> -> memref<128x32xf32, #tpu.memory_space<vmem>>
      %dma_wait3A_202 = arith.constant 0 : i32
      %dma_wait3A_203 = tpu.memref_slice %arg11[%add3A_98, %dma_wait3A_202] : memref<112x128xi32, #tpu.memory_space<vmem>> -> memref<1x128xi32, #tpu.memory_space<vmem>>
      %dma_wait3A_204 = tpu.memref_squeeze %dma_wait3A_203 : memref<1x128xi32, #tpu.memory_space<vmem>> -> memref<128xi32, #tpu.memory_space<vmem>>
      %dma_wait3A_205 = arith.constant 0 : i32
      %dma_wait3A_206 = arith.constant 0 : i32
      %dma_wait3A_207 = tpu.memref_slice %arg5[%dma_wait3A_205, %dma_wait3A_206] : memref<1000000x32xf32, #tpu.memory_space<hbm>> -> memref<1000000x32xf32, #tpu.memory_space<hbm>>
      tpu.wait_indirect_dma semaphore(%arg13 : memref<!tpu.dma_semaphore, #tpu.memory_space<semaphore_mem>>) src(%dma_wait3A_207 : memref<1000000x32xf32, #tpu.memory_space<hbm>>) dst(%dma_wait3A_201 : memref<128x32xf32, #tpu.memory_space<vmem>>)
      %dma_wait3A_208 = arith.constant 128 : i32
      %dma_wait3A_209 = arith.constant 0 : i32
      %dma_wait3A_210 = tpu.memref_slice %arg12[%dma_wait3A_208, %dma_wait3A_209] : memref<1024x32xf32, #tpu.memory_space<vmem>> -> memref<128x32xf32, #tpu.memory_space<vmem>>
      %dma_wait3A_211 = arith.constant 0 : i32
      %dma_wait3A_212 = tpu.memref_slice %arg11[%add3A_111, %dma_wait3A_211] : memref<112x128xi32, #tpu.memory_space<vmem>> -> memref<1x128xi32, #tpu.memory_space<vmem>>
      %dma_wait3A_213 = tpu.memref_squeeze %dma_wait3A_212 : memref<1x128xi32, #tpu.memory_space<vmem>> -> memref<128xi32, #tpu.memory_space<vmem>>
      %dma_wait3A_214 = arith.constant 0 : i32
      %dma_wait3A_215 = arith.constant 0 : i32
      %dma_wait3A_216 = tpu.memref_slice %arg5[%dma_wait3A_214, %dma_wait3A_215] : memref<1000000x32xf32, #tpu.memory_space<hbm>> -> memref<1000000x32xf32, #tpu.memory_space<hbm>>
      tpu.wait_indirect_dma semaphore(%arg13 : memref<!tpu.dma_semaphore, #tpu.memory_space<semaphore_mem>>) src(%dma_wait3A_216 : memref<1000000x32xf32, #tpu.memory_space<hbm>>) dst(%dma_wait3A_210 : memref<128x32xf32, #tpu.memory_space<vmem>>)
      %dma_wait3A_217 = arith.constant 256 : i32
      %dma_wait3A_218 = arith.constant 0 : i32
      %dma_wait3A_219 = tpu.memref_slice %arg12[%dma_wait3A_217, %dma_wait3A_218] : memref<1024x32xf32, #tpu.memory_space<vmem>> -> memref<128x32xf32, #tpu.memory_space<vmem>>
      %dma_wait3A_220 = arith.constant 0 : i32
      %dma_wait3A_221 = tpu.memref_slice %arg11[%add3A_124, %dma_wait3A_220] : memref<112x128xi32, #tpu.memory_space<vmem>> -> memref<1x128xi32, #tpu.memory_space<vmem>>
      %dma_wait3A_222 = tpu.memref_squeeze %dma_wait3A_221 : memref<1x128xi32, #tpu.memory_space<vmem>> -> memref<128xi32, #tpu.memory_space<vmem>>
      %dma_wait3A_223 = arith.constant 0 : i32
      %dma_wait3A_224 = arith.constant 0 : i32
      %dma_wait3A_225 = tpu.memref_slice %arg5[%dma_wait3A_223, %dma_wait3A_224] : memref<1000000x32xf32, #tpu.memory_space<hbm>> -> memref<1000000x32xf32, #tpu.memory_space<hbm>>
      tpu.wait_indirect_dma semaphore(%arg13 : memref<!tpu.dma_semaphore, #tpu.memory_space<semaphore_mem>>) src(%dma_wait3A_225 : memref<1000000x32xf32, #tpu.memory_space<hbm>>) dst(%dma_wait3A_219 : memref<128x32xf32, #tpu.memory_space<vmem>>)
      %dma_wait3A_226 = arith.constant 384 : i32
      %dma_wait3A_227 = arith.constant 0 : i32
      %dma_wait3A_228 = tpu.memref_slice %arg12[%dma_wait3A_226, %dma_wait3A_227] : memref<1024x32xf32, #tpu.memory_space<vmem>> -> memref<128x32xf32, #tpu.memory_space<vmem>>
      %dma_wait3A_229 = arith.constant 0 : i32
      %dma_wait3A_230 = tpu.memref_slice %arg11[%add3A_137, %dma_wait3A_229] : memref<112x128xi32, #tpu.memory_space<vmem>> -> memref<1x128xi32, #tpu.memory_space<vmem>>
      %dma_wait3A_231 = tpu.memref_squeeze %dma_wait3A_230 : memref<1x128xi32, #tpu.memory_space<vmem>> -> memref<128xi32, #tpu.memory_space<vmem>>
      %dma_wait3A_232 = arith.constant 0 : i32
      %dma_wait3A_233 = arith.constant 0 : i32
      %dma_wait3A_234 = tpu.memref_slice %arg5[%dma_wait3A_232, %dma_wait3A_233] : memref<1000000x32xf32, #tpu.memory_space<hbm>> -> memref<1000000x32xf32, #tpu.memory_space<hbm>>
      tpu.wait_indirect_dma semaphore(%arg13 : memref<!tpu.dma_semaphore, #tpu.memory_space<semaphore_mem>>) src(%dma_wait3A_234 : memref<1000000x32xf32, #tpu.memory_space<hbm>>) dst(%dma_wait3A_228 : memref<128x32xf32, #tpu.memory_space<vmem>>)
      %dma_wait3A_235 = arith.constant 512 : i32
      %dma_wait3A_236 = arith.constant 0 : i32
      %dma_wait3A_237 = tpu.memref_slice %arg12[%dma_wait3A_235, %dma_wait3A_236] : memref<1024x32xf32, #tpu.memory_space<vmem>> -> memref<128x32xf32, #tpu.memory_space<vmem>>
      %dma_wait3A_238 = arith.constant 0 : i32
      %dma_wait3A_239 = tpu.memref_slice %arg11[%add3A_150, %dma_wait3A_238] : memref<112x128xi32, #tpu.memory_space<vmem>> -> memref<1x128xi32, #tpu.memory_space<vmem>>
      %dma_wait3A_240 = tpu.memref_squeeze %dma_wait3A_239 : memref<1x128xi32, #tpu.memory_space<vmem>> -> memref<128xi32, #tpu.memory_space<vmem>>
      %dma_wait3A_241 = arith.constant 0 : i32
      %dma_wait3A_242 = arith.constant 0 : i32
      %dma_wait3A_243 = tpu.memref_slice %arg5[%dma_wait3A_241, %dma_wait3A_242] : memref<1000000x32xf32, #tpu.memory_space<hbm>> -> memref<1000000x32xf32, #tpu.memory_space<hbm>>
      tpu.wait_indirect_dma semaphore(%arg13 : memref<!tpu.dma_semaphore, #tpu.memory_space<semaphore_mem>>) src(%dma_wait3A_243 : memref<1000000x32xf32, #tpu.memory_space<hbm>>) dst(%dma_wait3A_237 : memref<128x32xf32, #tpu.memory_space<vmem>>)
      %dma_wait3A_244 = arith.constant 640 : i32
      %dma_wait3A_245 = arith.constant 0 : i32
      %dma_wait3A_246 = tpu.memref_slice %arg12[%dma_wait3A_244, %dma_wait3A_245] : memref<1024x32xf32, #tpu.memory_space<vmem>> -> memref<128x32xf32, #tpu.memory_space<vmem>>
      %dma_wait3A_247 = arith.constant 0 : i32
      %dma_wait3A_248 = tpu.memref_slice %arg11[%add3A_163, %dma_wait3A_247] : memref<112x128xi32, #tpu.memory_space<vmem>> -> memref<1x128xi32, #tpu.memory_space<vmem>>
      %dma_wait3A_249 = tpu.memref_squeeze %dma_wait3A_248 : memref<1x128xi32, #tpu.memory_space<vmem>> -> memref<128xi32, #tpu.memory_space<vmem>>
      %dma_wait3A_250 = arith.constant 0 : i32
      %dma_wait3A_251 = arith.constant 0 : i32
      %dma_wait3A_252 = tpu.memref_slice %arg5[%dma_wait3A_250, %dma_wait3A_251] : memref<1000000x32xf32, #tpu.memory_space<hbm>> -> memref<1000000x32xf32, #tpu.memory_space<hbm>>
      tpu.wait_indirect_dma semaphore(%arg13 : memref<!tpu.dma_semaphore, #tpu.memory_space<semaphore_mem>>) src(%dma_wait3A_252 : memref<1000000x32xf32, #tpu.memory_space<hbm>>) dst(%dma_wait3A_246 : memref<128x32xf32, #tpu.memory_space<vmem>>)
      %dma_wait3A_253 = arith.constant 768 : i32
      %dma_wait3A_254 = arith.constant 0 : i32
      %dma_wait3A_255 = tpu.memref_slice %arg12[%dma_wait3A_253, %dma_wait3A_254] : memref<1024x32xf32, #tpu.memory_space<vmem>> -> memref<128x32xf32, #tpu.memory_space<vmem>>
      %dma_wait3A_256 = arith.constant 0 : i32
      %dma_wait3A_257 = tpu.memref_slice %arg11[%add3A_176, %dma_wait3A_256] : memref<112x128xi32, #tpu.memory_space<vmem>> -> memref<1x128xi32, #tpu.memory_space<vmem>>
      %dma_wait3A_258 = tpu.memref_squeeze %dma_wait3A_257 : memref<1x128xi32, #tpu.memory_space<vmem>> -> memref<128xi32, #tpu.memory_space<vmem>>
      %dma_wait3A_259 = arith.constant 0 : i32
      %dma_wait3A_260 = arith.constant 0 : i32
      %dma_wait3A_261 = tpu.memref_slice %arg5[%dma_wait3A_259, %dma_wait3A_260] : memref<1000000x32xf32, #tpu.memory_space<hbm>> -> memref<1000000x32xf32, #tpu.memory_space<hbm>>
      tpu.wait_indirect_dma semaphore(%arg13 : memref<!tpu.dma_semaphore, #tpu.memory_space<semaphore_mem>>) src(%dma_wait3A_261 : memref<1000000x32xf32, #tpu.memory_space<hbm>>) dst(%dma_wait3A_255 : memref<128x32xf32, #tpu.memory_space<vmem>>)
      %dma_wait3A_262 = arith.constant 896 : i32
      %dma_wait3A_263 = arith.constant 0 : i32
      %dma_wait3A_264 = tpu.memref_slice %arg12[%dma_wait3A_262, %dma_wait3A_263] : memref<1024x32xf32, #tpu.memory_space<vmem>> -> memref<128x32xf32, #tpu.memory_space<vmem>>
      %dma_wait3A_265 = arith.constant 0 : i32
      %dma_wait3A_266 = tpu.memref_slice %arg11[%add3A_189, %dma_wait3A_265] : memref<112x128xi32, #tpu.memory_space<vmem>> -> memref<1x128xi32, #tpu.memory_space<vmem>>
      %dma_wait3A_267 = tpu.memref_squeeze %dma_wait3A_266 : memref<1x128xi32, #tpu.memory_space<vmem>> -> memref<128xi32, #tpu.memory_space<vmem>>
      %dma_wait3A_268 = arith.constant 0 : i32
      %dma_wait3A_269 = arith.constant 0 : i32
      %dma_wait3A_270 = tpu.memref_slice %arg5[%dma_wait3A_268, %dma_wait3A_269] : memref<1000000x32xf32, #tpu.memory_space<hbm>> -> memref<1000000x32xf32, #tpu.memory_space<hbm>>
      tpu.wait_indirect_dma semaphore(%arg13 : memref<!tpu.dma_semaphore, #tpu.memory_space<semaphore_mem>>) src(%dma_wait3A_270 : memref<1000000x32xf32, #tpu.memory_space<hbm>>) dst(%dma_wait3A_264 : memref<128x32xf32, #tpu.memory_space<vmem>>)
      %mul3A_271 = arith.constant 112 : i32
      %mul3A_272 = arith.muli %add3A, %mul3A_271 : i32
      %mul3A_273 = arith.constant 128 : i32
      %mul3A_274 = arith.muli %mul3A_272, %mul3A_273 : i32
      %mul3A_275 = arith.constant 1024 : i32
      %mul3A_276 = arith.muli %scan3A_94, %mul3A_275 : i32
      %add3A_277 = arith.addi %mul3A_274, %mul3A_276 : i32
      "tpu.region"() ({
        %run_scoped3A = tpu.sem_alloc : memref<!tpu.dma_semaphore, #tpu.memory_space<semaphore_mem>>
        %dma_start3A_278 = arith.constant 0 : i32
        %dma_start3A_279 = tpu.memref_slice %arg8[%add3A_277, %dma_start3A_278] : memref<458752x32xf32, #tpu.memory_space<hbm>> -> memref<1024x32xf32, #tpu.memory_space<hbm>>
        %dma_start3A_280 = arith.constant 0 : i32
        %dma_start3A_281 = tpu.memref_slice %arg8[%add3A_277, %dma_start3A_280] : memref<458752x32xf32, #tpu.memory_space<hbm>> -> memref<1024x32xf32, #tpu.memory_space<hbm>>
        tpu.enqueue_dma source(%arg12 : memref<1024x32xf32, #tpu.memory_space<vmem>>) target(%dma_start3A_281 : memref<1024x32xf32, #tpu.memory_space<hbm>>) target_semaphore(%run_scoped3A : memref<!tpu.dma_semaphore, #tpu.memory_space<semaphore_mem>>)
        %dma_wait3A_282 = arith.constant 0 : i32
        %dma_wait3A_283 = tpu.memref_slice %arg8[%add3A_277, %dma_wait3A_282] : memref<458752x32xf32, #tpu.memory_space<hbm>> -> memref<1024x32xf32, #tpu.memory_space<hbm>>
        %dma_wait3A_284 = arith.constant 0 : i32
        %dma_wait3A_285 = tpu.memref_slice %arg8[%add3A_277, %dma_wait3A_284] : memref<458752x32xf32, #tpu.memory_space<hbm>> -> memref<1024x32xf32, #tpu.memory_space<hbm>>
        tpu.wait_dma2 semaphore(%run_scoped3A : memref<!tpu.dma_semaphore, #tpu.memory_space<semaphore_mem>>) src(%arg12 : memref<1024x32xf32, #tpu.memory_space<vmem>>) dst(%dma_wait3A_285 : memref<1024x32xf32, #tpu.memory_space<hbm>>)
        tpu.yield
      }) : () -> ()
    }
    %scan3A_7 = arith.constant 14 : i32
    %mul3A_8 = arith.constant 2 : i32
    %mul3A_9 = arith.muli %add3A, %mul3A_8 : i32
    "tpu.region"() ({
      %run_scoped3A = tpu.sem_alloc : memref<!tpu.dma_semaphore, #tpu.memory_space<semaphore_mem>>
      %dma_start3A_94 = arith.constant 0 : i32
      %dma_start3A_95 = arith.constant 0 : i32
      %dma_start3A_96 = tpu.memref_slice %arg11[%dma_start3A_94, %dma_start3A_95] : memref<112x128xi32, #tpu.memory_space<vmem>> -> memref<2x128xi32, #tpu.memory_space<vmem>>
      %dma_start3A_97 = arith.constant 0 : i32
      %dma_start3A_98 = tpu.memref_slice %arg3[%mul3A_9, %dma_start3A_97] : memref<64x128xi32, #tpu.memory_space<hbm>> -> memref<2x128xi32, #tpu.memory_space<hbm>>
      %dma_start3A_99 = arith.constant 0 : i32
      %dma_start3A_100 = arith.constant 0 : i32
      %dma_start3A_101 = tpu.memref_slice %arg11[%dma_start3A_99, %dma_start3A_100] : memref<112x128xi32, #tpu.memory_space<vmem>> -> memref<2x128xi32, #tpu.memory_space<vmem>>
      %dma_start3A_102 = arith.constant 0 : i32
      %dma_start3A_103 = tpu.memref_slice %arg3[%mul3A_9, %dma_start3A_102] : memref<64x128xi32, #tpu.memory_space<hbm>> -> memref<2x128xi32, #tpu.memory_space<hbm>>
      tpu.enqueue_dma source(%dma_start3A_103 : memref<2x128xi32, #tpu.memory_space<hbm>>) target(%dma_start3A_101 : memref<2x128xi32, #tpu.memory_space<vmem>>) target_semaphore(%run_scoped3A : memref<!tpu.dma_semaphore, #tpu.memory_space<semaphore_mem>>)
      %dma_wait3A_104 = arith.constant 0 : i32
      %dma_wait3A_105 = arith.constant 0 : i32
      %dma_wait3A_106 = tpu.memref_slice %arg11[%dma_wait3A_104, %dma_wait3A_105] : memref<112x128xi32, #tpu.memory_space<vmem>> -> memref<2x128xi32, #tpu.memory_space<vmem>>
      %dma_wait3A_107 = arith.constant 0 : i32
      %dma_wait3A_108 = tpu.memref_slice %arg3[%mul3A_9, %dma_wait3A_107] : memref<64x128xi32, #tpu.memory_space<hbm>> -> memref<2x128xi32, #tpu.memory_space<hbm>>
      %dma_wait3A_109 = arith.constant 0 : i32
      %dma_wait3A_110 = arith.constant 0 : i32
      %dma_wait3A_111 = tpu.memref_slice %arg11[%dma_wait3A_109, %dma_wait3A_110] : memref<112x128xi32, #tpu.memory_space<vmem>> -> memref<2x128xi32, #tpu.memory_space<vmem>>
      %dma_wait3A_112 = arith.constant 0 : i32
      %dma_wait3A_113 = tpu.memref_slice %arg3[%mul3A_9, %dma_wait3A_112] : memref<64x128xi32, #tpu.memory_space<hbm>> -> memref<2x128xi32, #tpu.memory_space<hbm>>
      tpu.wait_dma2 semaphore(%run_scoped3A : memref<!tpu.dma_semaphore, #tpu.memory_space<semaphore_mem>>) src(%dma_wait3A_113 : memref<2x128xi32, #tpu.memory_space<hbm>>) dst(%dma_wait3A_111 : memref<2x128xi32, #tpu.memory_space<vmem>>)
      tpu.yield
    }) : () -> ()
    %dma_start3A = arith.constant 0 : i32
    %dma_start3A_10 = arith.constant 0 : i32
    %dma_start3A_11 = arith.constant 0 : i32
    %dma_start3A_12 = tpu.memref_slice %arg12[%dma_start3A_10, %dma_start3A_11] : memref<1024x32xf32, #tpu.memory_space<vmem>> -> memref<128x32xf32, #tpu.memory_space<vmem>>
    %dma_start3A_13 = arith.constant 0 : i32
    %dma_start3A_14 = tpu.memref_slice %arg11[%dma_start3A, %dma_start3A_13] : memref<112x128xi32, #tpu.memory_space<vmem>> -> memref<1x128xi32, #tpu.memory_space<vmem>>
    %dma_start3A_15 = tpu.memref_squeeze %dma_start3A_14 : memref<1x128xi32, #tpu.memory_space<vmem>> -> memref<128xi32, #tpu.memory_space<vmem>>
    %dma_start3A_16 = arith.constant 0 : i32
    %dma_start3A_17 = arith.constant 0 : i32
    %dma_start3A_18 = tpu.memref_slice %arg6[%dma_start3A_16, %dma_start3A_17] : memref<100000x32xf32, #tpu.memory_space<hbm>> -> memref<100000x32xf32, #tpu.memory_space<hbm>>
    tpu.enqueue_indirect_dma source(%dma_start3A_18 : memref<100000x32xf32, #tpu.memory_space<hbm>>) target(%dma_start3A_12 : memref<128x32xf32, #tpu.memory_space<vmem>>) offsets(%dma_start3A_15 : memref<128xi32, #tpu.memory_space<vmem>>) semaphore(%arg13 : memref<!tpu.dma_semaphore, #tpu.memory_space<semaphore_mem>>)
    %dma_start3A_19 = arith.constant 1 : i32
    %dma_start3A_20 = arith.constant 128 : i32
    %dma_start3A_21 = arith.constant 0 : i32
    %dma_start3A_22 = tpu.memref_slice %arg12[%dma_start3A_20, %dma_start3A_21] : memref<1024x32xf32, #tpu.memory_space<vmem>> -> memref<128x32xf32, #tpu.memory_space<vmem>>
    %dma_start3A_23 = arith.constant 0 : i32
    %dma_start3A_24 = tpu.memref_slice %arg11[%dma_start3A_19, %dma_start3A_23] : memref<112x128xi32, #tpu.memory_space<vmem>> -> memref<1x128xi32, #tpu.memory_space<vmem>>
    %dma_start3A_25 = tpu.memref_squeeze %dma_start3A_24 : memref<1x128xi32, #tpu.memory_space<vmem>> -> memref<128xi32, #tpu.memory_space<vmem>>
    %dma_start3A_26 = arith.constant 0 : i32
    %dma_start3A_27 = arith.constant 0 : i32
    %dma_start3A_28 = tpu.memref_slice %arg6[%dma_start3A_26, %dma_start3A_27] : memref<100000x32xf32, #tpu.memory_space<hbm>> -> memref<100000x32xf32, #tpu.memory_space<hbm>>
    tpu.enqueue_indirect_dma source(%dma_start3A_28 : memref<100000x32xf32, #tpu.memory_space<hbm>>) target(%dma_start3A_22 : memref<128x32xf32, #tpu.memory_space<vmem>>) offsets(%dma_start3A_25 : memref<128xi32, #tpu.memory_space<vmem>>) semaphore(%arg13 : memref<!tpu.dma_semaphore, #tpu.memory_space<semaphore_mem>>)
    %dma_wait3A = arith.constant 0 : i32
    %dma_wait3A_29 = arith.constant 0 : i32
    %dma_wait3A_30 = arith.constant 0 : i32
    %dma_wait3A_31 = tpu.memref_slice %arg12[%dma_wait3A_29, %dma_wait3A_30] : memref<1024x32xf32, #tpu.memory_space<vmem>> -> memref<128x32xf32, #tpu.memory_space<vmem>>
    %dma_wait3A_32 = arith.constant 0 : i32
    %dma_wait3A_33 = tpu.memref_slice %arg11[%dma_wait3A, %dma_wait3A_32] : memref<112x128xi32, #tpu.memory_space<vmem>> -> memref<1x128xi32, #tpu.memory_space<vmem>>
    %dma_wait3A_34 = tpu.memref_squeeze %dma_wait3A_33 : memref<1x128xi32, #tpu.memory_space<vmem>> -> memref<128xi32, #tpu.memory_space<vmem>>
    %dma_wait3A_35 = arith.constant 0 : i32
    %dma_wait3A_36 = arith.constant 0 : i32
    %dma_wait3A_37 = tpu.memref_slice %arg6[%dma_wait3A_35, %dma_wait3A_36] : memref<100000x32xf32, #tpu.memory_space<hbm>> -> memref<100000x32xf32, #tpu.memory_space<hbm>>
    tpu.wait_indirect_dma semaphore(%arg13 : memref<!tpu.dma_semaphore, #tpu.memory_space<semaphore_mem>>) src(%dma_wait3A_37 : memref<100000x32xf32, #tpu.memory_space<hbm>>) dst(%dma_wait3A_31 : memref<128x32xf32, #tpu.memory_space<vmem>>)
    %dma_wait3A_38 = arith.constant 1 : i32
    %dma_wait3A_39 = arith.constant 128 : i32
    %dma_wait3A_40 = arith.constant 0 : i32
    %dma_wait3A_41 = tpu.memref_slice %arg12[%dma_wait3A_39, %dma_wait3A_40] : memref<1024x32xf32, #tpu.memory_space<vmem>> -> memref<128x32xf32, #tpu.memory_space<vmem>>
    %dma_wait3A_42 = arith.constant 0 : i32
    %dma_wait3A_43 = tpu.memref_slice %arg11[%dma_wait3A_38, %dma_wait3A_42] : memref<112x128xi32, #tpu.memory_space<vmem>> -> memref<1x128xi32, #tpu.memory_space<vmem>>
    %dma_wait3A_44 = tpu.memref_squeeze %dma_wait3A_43 : memref<1x128xi32, #tpu.memory_space<vmem>> -> memref<128xi32, #tpu.memory_space<vmem>>
    %dma_wait3A_45 = arith.constant 0 : i32
    %dma_wait3A_46 = arith.constant 0 : i32
    %dma_wait3A_47 = tpu.memref_slice %arg6[%dma_wait3A_45, %dma_wait3A_46] : memref<100000x32xf32, #tpu.memory_space<hbm>> -> memref<100000x32xf32, #tpu.memory_space<hbm>>
    tpu.wait_indirect_dma semaphore(%arg13 : memref<!tpu.dma_semaphore, #tpu.memory_space<semaphore_mem>>) src(%dma_wait3A_47 : memref<100000x32xf32, #tpu.memory_space<hbm>>) dst(%dma_wait3A_41 : memref<128x32xf32, #tpu.memory_space<vmem>>)
    %mul3A_48 = arith.constant 256 : i32
    %mul3A_49 = arith.muli %add3A, %mul3A_48 : i32
    "tpu.region"() ({
      %run_scoped3A = tpu.sem_alloc : memref<!tpu.dma_semaphore, #tpu.memory_space<semaphore_mem>>
      %dma_start3A_94 = arith.constant 0 : i32
      %dma_start3A_95 = arith.constant 0 : i32
      %dma_start3A_96 = tpu.memref_slice %arg12[%dma_start3A_94, %dma_start3A_95] : memref<1024x32xf32, #tpu.memory_space<vmem>> -> memref<256x32xf32, #tpu.memory_space<vmem>>
      %dma_start3A_97 = arith.constant 0 : i32
      %dma_start3A_98 = tpu.memref_slice %arg9[%mul3A_49, %dma_start3A_97] : memref<8192x32xf32, #tpu.memory_space<hbm>> -> memref<256x32xf32, #tpu.memory_space<hbm>>
      %dma_start3A_99 = arith.constant 0 : i32
      %dma_start3A_100 = tpu.memref_slice %arg9[%mul3A_49, %dma_start3A_99] : memref<8192x32xf32, #tpu.memory_space<hbm>> -> memref<256x32xf32, #tpu.memory_space<hbm>>
      %dma_start3A_101 = arith.constant 0 : i32
      %dma_start3A_102 = arith.constant 0 : i32
      %dma_start3A_103 = tpu.memref_slice %arg12[%dma_start3A_101, %dma_start3A_102] : memref<1024x32xf32, #tpu.memory_space<vmem>> -> memref<256x32xf32, #tpu.memory_space<vmem>>
      tpu.enqueue_dma source(%dma_start3A_103 : memref<256x32xf32, #tpu.memory_space<vmem>>) target(%dma_start3A_100 : memref<256x32xf32, #tpu.memory_space<hbm>>) target_semaphore(%run_scoped3A : memref<!tpu.dma_semaphore, #tpu.memory_space<semaphore_mem>>)
      %dma_wait3A_104 = arith.constant 0 : i32
      %dma_wait3A_105 = arith.constant 0 : i32
      %dma_wait3A_106 = tpu.memref_slice %arg12[%dma_wait3A_104, %dma_wait3A_105] : memref<1024x32xf32, #tpu.memory_space<vmem>> -> memref<256x32xf32, #tpu.memory_space<vmem>>
      %dma_wait3A_107 = arith.constant 0 : i32
      %dma_wait3A_108 = tpu.memref_slice %arg9[%mul3A_49, %dma_wait3A_107] : memref<8192x32xf32, #tpu.memory_space<hbm>> -> memref<256x32xf32, #tpu.memory_space<hbm>>
      %dma_wait3A_109 = arith.constant 0 : i32
      %dma_wait3A_110 = tpu.memref_slice %arg9[%mul3A_49, %dma_wait3A_109] : memref<8192x32xf32, #tpu.memory_space<hbm>> -> memref<256x32xf32, #tpu.memory_space<hbm>>
      %dma_wait3A_111 = arith.constant 0 : i32
      %dma_wait3A_112 = arith.constant 0 : i32
      %dma_wait3A_113 = tpu.memref_slice %arg12[%dma_wait3A_111, %dma_wait3A_112] : memref<1024x32xf32, #tpu.memory_space<vmem>> -> memref<256x32xf32, #tpu.memory_space<vmem>>
      tpu.wait_dma2 semaphore(%run_scoped3A : memref<!tpu.dma_semaphore, #tpu.memory_space<semaphore_mem>>) src(%dma_wait3A_113 : memref<256x32xf32, #tpu.memory_space<vmem>>) dst(%dma_wait3A_110 : memref<256x32xf32, #tpu.memory_space<hbm>>)
      tpu.yield
    }) : () -> ()
    %mul3A_50 = arith.constant 2 : i32
    %mul3A_51 = arith.muli %add3A, %mul3A_50 : i32
    "tpu.region"() ({
      %run_scoped3A = tpu.sem_alloc : memref<!tpu.dma_semaphore, #tpu.memory_space<semaphore_mem>>
      %dma_start3A_94 = arith.constant 0 : i32
      %dma_start3A_95 = arith.constant 0 : i32
      %dma_start3A_96 = tpu.memref_slice %arg11[%dma_start3A_94, %dma_start3A_95] : memref<112x128xi32, #tpu.memory_space<vmem>> -> memref<2x128xi32, #tpu.memory_space<vmem>>
      %dma_start3A_97 = arith.constant 0 : i32
      %dma_start3A_98 = tpu.memref_slice %arg4[%mul3A_51, %dma_start3A_97] : memref<64x128xi32, #tpu.memory_space<hbm>> -> memref<2x128xi32, #tpu.memory_space<hbm>>
      %dma_start3A_99 = arith.constant 0 : i32
      %dma_start3A_100 = arith.constant 0 : i32
      %dma_start3A_101 = tpu.memref_slice %arg11[%dma_start3A_99, %dma_start3A_100] : memref<112x128xi32, #tpu.memory_space<vmem>> -> memref<2x128xi32, #tpu.memory_space<vmem>>
      %dma_start3A_102 = arith.constant 0 : i32
      %dma_start3A_103 = tpu.memref_slice %arg4[%mul3A_51, %dma_start3A_102] : memref<64x128xi32, #tpu.memory_space<hbm>> -> memref<2x128xi32, #tpu.memory_space<hbm>>
      tpu.enqueue_dma source(%dma_start3A_103 : memref<2x128xi32, #tpu.memory_space<hbm>>) target(%dma_start3A_101 : memref<2x128xi32, #tpu.memory_space<vmem>>) target_semaphore(%run_scoped3A : memref<!tpu.dma_semaphore, #tpu.memory_space<semaphore_mem>>)
      %dma_wait3A_104 = arith.constant 0 : i32
      %dma_wait3A_105 = arith.constant 0 : i32
      %dma_wait3A_106 = tpu.memref_slice %arg11[%dma_wait3A_104, %dma_wait3A_105] : memref<112x128xi32, #tpu.memory_space<vmem>> -> memref<2x128xi32, #tpu.memory_space<vmem>>
      %dma_wait3A_107 = arith.constant 0 : i32
      %dma_wait3A_108 = tpu.memref_slice %arg4[%mul3A_51, %dma_wait3A_107] : memref<64x128xi32, #tpu.memory_space<hbm>> -> memref<2x128xi32, #tpu.memory_space<hbm>>
      %dma_wait3A_109 = arith.constant 0 : i32
      %dma_wait3A_110 = arith.constant 0 : i32
      %dma_wait3A_111 = tpu.memref_slice %arg11[%dma_wait3A_109, %dma_wait3A_110] : memref<112x128xi32, #tpu.memory_space<vmem>> -> memref<2x128xi32, #tpu.memory_space<vmem>>
      %dma_wait3A_112 = arith.constant 0 : i32
      %dma_wait3A_113 = tpu.memref_slice %arg4[%mul3A_51, %dma_wait3A_112] : memref<64x128xi32, #tpu.memory_space<hbm>> -> memref<2x128xi32, #tpu.memory_space<hbm>>
      tpu.wait_dma2 semaphore(%run_scoped3A : memref<!tpu.dma_semaphore, #tpu.memory_space<semaphore_mem>>) src(%dma_wait3A_113 : memref<2x128xi32, #tpu.memory_space<hbm>>) dst(%dma_wait3A_111 : memref<2x128xi32, #tpu.memory_space<vmem>>)
      tpu.yield
    }) : () -> ()
    %dma_start3A_52 = arith.constant 0 : i32
    %dma_start3A_53 = arith.constant 0 : i32
    %dma_start3A_54 = arith.constant 0 : i32
    %dma_start3A_55 = tpu.memref_slice %arg12[%dma_start3A_53, %dma_start3A_54] : memref<1024x32xf32, #tpu.memory_space<vmem>> -> memref<128x32xf32, #tpu.memory_space<vmem>>
    %dma_start3A_56 = arith.constant 0 : i32
    %dma_start3A_57 = tpu.memref_slice %arg11[%dma_start3A_52, %dma_start3A_56] : memref<112x128xi32, #tpu.memory_space<vmem>> -> memref<1x128xi32, #tpu.memory_space<vmem>>
    %dma_start3A_58 = tpu.memref_squeeze %dma_start3A_57 : memref<1x128xi32, #tpu.memory_space<vmem>> -> memref<128xi32, #tpu.memory_space<vmem>>
    %dma_start3A_59 = arith.constant 0 : i32
    %dma_start3A_60 = arith.constant 0 : i32
    %dma_start3A_61 = tpu.memref_slice %arg7[%dma_start3A_59, %dma_start3A_60] : memref<100000x32xf32, #tpu.memory_space<hbm>> -> memref<100000x32xf32, #tpu.memory_space<hbm>>
    tpu.enqueue_indirect_dma source(%dma_start3A_61 : memref<100000x32xf32, #tpu.memory_space<hbm>>) target(%dma_start3A_55 : memref<128x32xf32, #tpu.memory_space<vmem>>) offsets(%dma_start3A_58 : memref<128xi32, #tpu.memory_space<vmem>>) semaphore(%arg13 : memref<!tpu.dma_semaphore, #tpu.memory_space<semaphore_mem>>)
    %dma_start3A_62 = arith.constant 1 : i32
    %dma_start3A_63 = arith.constant 128 : i32
    %dma_start3A_64 = arith.constant 0 : i32
    %dma_start3A_65 = tpu.memref_slice %arg12[%dma_start3A_63, %dma_start3A_64] : memref<1024x32xf32, #tpu.memory_space<vmem>> -> memref<128x32xf32, #tpu.memory_space<vmem>>
    %dma_start3A_66 = arith.constant 0 : i32
    %dma_start3A_67 = tpu.memref_slice %arg11[%dma_start3A_62, %dma_start3A_66] : memref<112x128xi32, #tpu.memory_space<vmem>> -> memref<1x128xi32, #tpu.memory_space<vmem>>
    %dma_start3A_68 = tpu.memref_squeeze %dma_start3A_67 : memref<1x128xi32, #tpu.memory_space<vmem>> -> memref<128xi32, #tpu.memory_space<vmem>>
    %dma_start3A_69 = arith.constant 0 : i32
    %dma_start3A_70 = arith.constant 0 : i32
    %dma_start3A_71 = tpu.memref_slice %arg7[%dma_start3A_69, %dma_start3A_70] : memref<100000x32xf32, #tpu.memory_space<hbm>> -> memref<100000x32xf32, #tpu.memory_space<hbm>>
    tpu.enqueue_indirect_dma source(%dma_start3A_71 : memref<100000x32xf32, #tpu.memory_space<hbm>>) target(%dma_start3A_65 : memref<128x32xf32, #tpu.memory_space<vmem>>) offsets(%dma_start3A_68 : memref<128xi32, #tpu.memory_space<vmem>>) semaphore(%arg13 : memref<!tpu.dma_semaphore, #tpu.memory_space<semaphore_mem>>)
    %dma_wait3A_72 = arith.constant 0 : i32
    %dma_wait3A_73 = arith.constant 0 : i32
    %dma_wait3A_74 = arith.constant 0 : i32
    %dma_wait3A_75 = tpu.memref_slice %arg12[%dma_wait3A_73, %dma_wait3A_74] : memref<1024x32xf32, #tpu.memory_space<vmem>> -> memref<128x32xf32, #tpu.memory_space<vmem>>
    %dma_wait3A_76 = arith.constant 0 : i32
    %dma_wait3A_77 = tpu.memref_slice %arg11[%dma_wait3A_72, %dma_wait3A_76] : memref<112x128xi32, #tpu.memory_space<vmem>> -> memref<1x128xi32, #tpu.memory_space<vmem>>
    %dma_wait3A_78 = tpu.memref_squeeze %dma_wait3A_77 : memref<1x128xi32, #tpu.memory_space<vmem>> -> memref<128xi32, #tpu.memory_space<vmem>>
    %dma_wait3A_79 = arith.constant 0 : i32
    %dma_wait3A_80 = arith.constant 0 : i32
    %dma_wait3A_81 = tpu.memref_slice %arg7[%dma_wait3A_79, %dma_wait3A_80] : memref<100000x32xf32, #tpu.memory_space<hbm>> -> memref<100000x32xf32, #tpu.memory_space<hbm>>
    tpu.wait_indirect_dma semaphore(%arg13 : memref<!tpu.dma_semaphore, #tpu.memory_space<semaphore_mem>>) src(%dma_wait3A_81 : memref<100000x32xf32, #tpu.memory_space<hbm>>) dst(%dma_wait3A_75 : memref<128x32xf32, #tpu.memory_space<vmem>>)
    %dma_wait3A_82 = arith.constant 1 : i32
    %dma_wait3A_83 = arith.constant 128 : i32
    %dma_wait3A_84 = arith.constant 0 : i32
    %dma_wait3A_85 = tpu.memref_slice %arg12[%dma_wait3A_83, %dma_wait3A_84] : memref<1024x32xf32, #tpu.memory_space<vmem>> -> memref<128x32xf32, #tpu.memory_space<vmem>>
    %dma_wait3A_86 = arith.constant 0 : i32
    %dma_wait3A_87 = tpu.memref_slice %arg11[%dma_wait3A_82, %dma_wait3A_86] : memref<112x128xi32, #tpu.memory_space<vmem>> -> memref<1x128xi32, #tpu.memory_space<vmem>>
    %dma_wait3A_88 = tpu.memref_squeeze %dma_wait3A_87 : memref<1x128xi32, #tpu.memory_space<vmem>> -> memref<128xi32, #tpu.memory_space<vmem>>
    %dma_wait3A_89 = arith.constant 0 : i32
    %dma_wait3A_90 = arith.constant 0 : i32
    %dma_wait3A_91 = tpu.memref_slice %arg7[%dma_wait3A_89, %dma_wait3A_90] : memref<100000x32xf32, #tpu.memory_space<hbm>> -> memref<100000x32xf32, #tpu.memory_space<hbm>>
    tpu.wait_indirect_dma semaphore(%arg13 : memref<!tpu.dma_semaphore, #tpu.memory_space<semaphore_mem>>) src(%dma_wait3A_91 : memref<100000x32xf32, #tpu.memory_space<hbm>>) dst(%dma_wait3A_85 : memref<128x32xf32, #tpu.memory_space<vmem>>)
    %mul3A_92 = arith.constant 256 : i32
    %mul3A_93 = arith.muli %add3A, %mul3A_92 : i32
    "tpu.region"() ({
      %run_scoped3A = tpu.sem_alloc : memref<!tpu.dma_semaphore, #tpu.memory_space<semaphore_mem>>
      %dma_start3A_94 = arith.constant 0 : i32
      %dma_start3A_95 = arith.constant 0 : i32
      %dma_start3A_96 = tpu.memref_slice %arg12[%dma_start3A_94, %dma_start3A_95] : memref<1024x32xf32, #tpu.memory_space<vmem>> -> memref<256x32xf32, #tpu.memory_space<vmem>>
      %dma_start3A_97 = arith.constant 0 : i32
      %dma_start3A_98 = tpu.memref_slice %arg10[%mul3A_93, %dma_start3A_97] : memref<8192x32xf32, #tpu.memory_space<hbm>> -> memref<256x32xf32, #tpu.memory_space<hbm>>
      %dma_start3A_99 = arith.constant 0 : i32
      %dma_start3A_100 = tpu.memref_slice %arg10[%mul3A_93, %dma_start3A_99] : memref<8192x32xf32, #tpu.memory_space<hbm>> -> memref<256x32xf32, #tpu.memory_space<hbm>>
      %dma_start3A_101 = arith.constant 0 : i32
      %dma_start3A_102 = arith.constant 0 : i32
      %dma_start3A_103 = tpu.memref_slice %arg12[%dma_start3A_101, %dma_start3A_102] : memref<1024x32xf32, #tpu.memory_space<vmem>> -> memref<256x32xf32, #tpu.memory_space<vmem>>
      tpu.enqueue_dma source(%dma_start3A_103 : memref<256x32xf32, #tpu.memory_space<vmem>>) target(%dma_start3A_100 : memref<256x32xf32, #tpu.memory_space<hbm>>) target_semaphore(%run_scoped3A : memref<!tpu.dma_semaphore, #tpu.memory_space<semaphore_mem>>)
      %dma_wait3A_104 = arith.constant 0 : i32
      %dma_wait3A_105 = arith.constant 0 : i32
      %dma_wait3A_106 = tpu.memref_slice %arg12[%dma_wait3A_104, %dma_wait3A_105] : memref<1024x32xf32, #tpu.memory_space<vmem>> -> memref<256x32xf32, #tpu.memory_space<vmem>>
      %dma_wait3A_107 = arith.constant 0 : i32
      %dma_wait3A_108 = tpu.memref_slice %arg10[%mul3A_93, %dma_wait3A_107] : memref<8192x32xf32, #tpu.memory_space<hbm>> -> memref<256x32xf32, #tpu.memory_space<hbm>>
      %dma_wait3A_109 = arith.constant 0 : i32
      %dma_wait3A_110 = tpu.memref_slice %arg10[%mul3A_93, %dma_wait3A_109] : memref<8192x32xf32, #tpu.memory_space<hbm>> -> memref<256x32xf32, #tpu.memory_space<hbm>>
      %dma_wait3A_111 = arith.constant 0 : i32
      %dma_wait3A_112 = arith.constant 0 : i32
      %dma_wait3A_113 = tpu.memref_slice %arg12[%dma_wait3A_111, %dma_wait3A_112] : memref<1024x32xf32, #tpu.memory_space<vmem>> -> memref<256x32xf32, #tpu.memory_space<vmem>>
      tpu.wait_dma2 semaphore(%run_scoped3A : memref<!tpu.dma_semaphore, #tpu.memory_space<semaphore_mem>>) src(%dma_wait3A_113 : memref<256x32xf32, #tpu.memory_space<vmem>>) dst(%dma_wait3A_110 : memref<256x32xf32, #tpu.memory_space<hbm>>)
      tpu.yield
    }) : () -> ()
    return
  }
}

module attributes {stable_mosaic.version = 14 : i64} {
  func.func @_tc_body(%arg0: i32, %arg1: memref<512x1792xf32, #tpu.memory_space<vmem>>, %arg2: memref<512x32xf32, #tpu.memory_space<vmem>>, %arg3: memref<512x32xf32, #tpu.memory_space<vmem>>, %arg4: memref<1792x56xf32, #tpu.memory_space<vmem>>, %arg5: memref<56x1792xf32, #tpu.memory_space<vmem>>, %arg6: memref<1792x32xf32, #tpu.memory_space<vmem>>, %arg7: memref<32x1xf32, #tpu.memory_space<vmem>>, %arg8: memref<1x1xf32, #tpu.memory_space<vmem>>, %arg9: memref<32x32xf32, #tpu.memory_space<vmem>>, %arg10: memref<1x32xf32, #tpu.memory_space<vmem>>, %arg11: memref<32x32xf32, #tpu.memory_space<vmem>>, %arg12: memref<1x32xf32, #tpu.memory_space<vmem>>, %arg13: memref<32x32xf32, #tpu.memory_space<vmem>>, %arg14: memref<32x32xf32, #tpu.memory_space<vmem>>, %arg15: memref<1x32xf32, #tpu.memory_space<vmem>>, %arg16: memref<32x1xf32, #tpu.memory_space<vmem>>, %arg17: memref<32x1xf32, #tpu.memory_space<vmem>>, %arg18: memref<1x1xf32, #tpu.memory_space<vmem>>, %arg19: memref<512x1xf32, #tpu.memory_space<vmem>>) attributes {dimension_semantics = [#tpu.dimension_semantics<arbitrary>], iteration_bounds = array<i64: 16>, scalar_prefetch = 0 : i64, scratch_operands = 0 : i64, tpu.core_type = #tpu.core_type<tc>, window_params = [{transform_indices = @transform_0, window_bounds = array<i64: 512, 1792>}, {transform_indices = @transform_1, window_bounds = array<i64: 512, 32>}, {transform_indices = @transform_2, window_bounds = array<i64: 512, 32>}, {pipeline_mode = #tpu.pipeline_mode<synchronous>, transform_indices = @transform_3, window_bounds = array<i64: 1792, 56>}, {pipeline_mode = #tpu.pipeline_mode<synchronous>, transform_indices = @transform_4, window_bounds = array<i64: 56, 1792>}, {pipeline_mode = #tpu.pipeline_mode<synchronous>, transform_indices = @transform_5, window_bounds = array<i64: 1792, 32>}, {pipeline_mode = #tpu.pipeline_mode<synchronous>, transform_indices = @transform_6, window_bounds = array<i64: 32, 1>}, {pipeline_mode = #tpu.pipeline_mode<synchronous>, transform_indices = @transform_7, window_bounds = array<i64: 1, 1>}, {pipeline_mode = #tpu.pipeline_mode<synchronous>, transform_indices = @transform_8, window_bounds = array<i64: 32, 32>}, {pipeline_mode = #tpu.pipeline_mode<synchronous>, transform_indices = @transform_9, window_bounds = array<i64: 1, 32>}, {pipeline_mode = #tpu.pipeline_mode<synchronous>, transform_indices = @transform_10, window_bounds = array<i64: 32, 32>}, {pipeline_mode = #tpu.pipeline_mode<synchronous>, transform_indices = @transform_11, window_bounds = array<i64: 1, 32>}, {pipeline_mode = #tpu.pipeline_mode<synchronous>, transform_indices = @transform_12, window_bounds = array<i64: 32, 32>}, {pipeline_mode = #tpu.pipeline_mode<synchronous>, transform_indices = @transform_13, window_bounds = array<i64: 32, 32>}, {pipeline_mode = #tpu.pipeline_mode<synchronous>, transform_indices = @transform_14, window_bounds = array<i64: 1, 32>}, {pipeline_mode = #tpu.pipeline_mode<synchronous>, transform_indices = @transform_15, window_bounds = array<i64: 32, 1>}, {pipeline_mode = #tpu.pipeline_mode<synchronous>, transform_indices = @transform_16, window_bounds = array<i64: 32, 1>}, {pipeline_mode = #tpu.pipeline_mode<synchronous>, transform_indices = @transform_17, window_bounds = array<i64: 1, 1>}, {transform_indices = @transform_18, window_bounds = array<i64: 512, 1>}]} {
    %get3A = arith.constant 0 : index
    %get3A_0 = arith.constant 0 : index
    %get3A_1 = vector.load %arg1[%get3A, %get3A_0] : memref<512x1792xf32, #tpu.memory_space<vmem>>, vector<512x1792xf32>
    %get3A_2 = arith.constant 0 : index
    %get3A_3 = arith.constant 0 : index
    %get3A_4 = vector.load %arg2[%get3A_2, %get3A_3] : memref<512x32xf32, #tpu.memory_space<vmem>>, vector<512x32xf32>
    %get3A_5 = arith.constant 0 : index
    %get3A_6 = arith.constant 0 : index
    %get3A_7 = vector.load %arg3[%get3A_5, %get3A_6] : memref<512x32xf32, #tpu.memory_space<vmem>>, vector<512x32xf32>
    %get3A_8 = arith.constant 0 : index
    %get3A_9 = arith.constant 0 : index
    %get3A_10 = vector.load %arg7[%get3A_8, %get3A_9] : memref<32x1xf32, #tpu.memory_space<vmem>>, vector<32x1xf32>
    %dot_general3A = arith.constant dense<0.000000e+00> : vector<512x1xf32>
    %dot_general3A_11 = tpu.matmul %get3A_4, %get3A_10, %dot_general3A {dimension_numbers = #tpu.dot_dimension_numbers<[1], [0], [0], [1], [0, 0, 1, 1], [], []>, transpose_lhs_hint = false} : vector<512x32xf32>, vector<32x1xf32>, vector<512x1xf32> -> vector<512x1xf32>
    %get3A_12 = arith.constant 0 : index
    %get3A_13 = arith.constant 0 : index
    %get3A_14 = vector.load %arg4[%get3A_12, %get3A_13] : memref<1792x56xf32, #tpu.memory_space<vmem>>, vector<1792x56xf32>
    %dot_general3A_15 = arith.constant dense<0.000000e+00> : vector<512x56xf32>
    %dot_general3A_16 = tpu.matmul %get3A_1, %get3A_14, %dot_general3A_15 {dimension_numbers = #tpu.dot_dimension_numbers<[1], [0], [0], [1], [0, 0, 1, 1], [], []>, transpose_lhs_hint = false} : vector<512x1792xf32>, vector<1792x56xf32>, vector<512x56xf32> -> vector<512x56xf32>
    %add3A = vector.broadcast %dot_general3A_11 : vector<512x1xf32> to vector<512x56xf32>
    %add3A_17 = arith.addf %dot_general3A_16, %add3A : vector<512x56xf32>
    %get3A_18 = arith.constant 0 : index
    %get3A_19 = arith.constant 0 : index
    %get3A_20 = vector.load %arg8[%get3A_18, %get3A_19] : memref<1x1xf32, #tpu.memory_space<vmem>>, vector<1x1xf32>
    %get3A_21 = vector.extract %get3A_20[0, 0] : f32 from vector<1x1xf32>
    %add3A_22 = vector.broadcast %get3A_21 : f32 to vector<512x56xf32>
    %add3A_23 = arith.addf %add3A_17, %add3A_22 : vector<512x56xf32>
    %ge3A = arith.constant 0.000000e+00 : f32
    %ge3A_24 = vector.broadcast %ge3A : f32 to vector<512x56xf32>
    %ge3A_25 = arith.cmpf oge, %add3A_23, %ge3A_24 : vector<512x56xf32>
    %mul3A = arith.constant 2.000000e-01 : f32
    %mul3A_26 = vector.broadcast %mul3A : f32 to vector<512x56xf32>
    %mul3A_27 = arith.mulf %mul3A_26, %add3A_23 : vector<512x56xf32>
    %select_n3A = arith.select %ge3A_25, %add3A_23, %mul3A_27 : vector<512x56xi1>, vector<512x56xf32>
    %iota3A = tpu.iota {dimensions = array<i32: 1>} : vector<512x56xi32>
    %lt3A = arith.constant 50 : i32
    %lt3A_28 = vector.broadcast %lt3A : i32 to vector<512x56xi32>
    %lt3A_29 = arith.cmpi slt, %iota3A, %lt3A_28 : vector<512x56xi32>
    %jit3A = arith.constant -1.000000e+30 : f32
    %broadcast_in_dim3A = vector.broadcast %jit3A : f32 to vector<512x56xf32>
    %select_n3A_30 = arith.select %lt3A_29, %select_n3A, %broadcast_in_dim3A : vector<512x56xi1>, vector<512x56xf32>
    %reduce_max3A = arith.constant dense<0xFF800000> : vector<512xf32>
    %reduce_max3A_31 = vector.multi_reduction <maximumf>, %select_n3A_30, %reduce_max3A [1] : vector<512x56xf32> to vector<512xf32>
    %broadcast_in_dim3A_32 = vector.shape_cast %reduce_max3A_31 : vector<512xf32> to vector<512x1xf32>
    %sub3A = vector.broadcast %broadcast_in_dim3A_32 : vector<512x1xf32> to vector<512x56xf32>
    %sub3A_33 = arith.subf %select_n3A_30, %sub3A : vector<512x56xf32>
    %exp3A = math.exp %sub3A_33 : vector<512x56xf32>
    %reduce_sum3A = arith.constant dense<0.000000e+00> : vector<512xf32>
    %reduce_sum3A_34 = vector.multi_reduction <add>, %exp3A, %reduce_sum3A [1] : vector<512x56xf32> to vector<512xf32>
    %broadcast_in_dim3A_35 = vector.shape_cast %reduce_sum3A_34 : vector<512xf32> to vector<512x1xf32>
    %get3A_36 = arith.constant 0 : index
    %get3A_37 = arith.constant 0 : index
    %get3A_38 = vector.load %arg5[%get3A_36, %get3A_37] : memref<56x1792xf32, #tpu.memory_space<vmem>>, vector<56x1792xf32>
    %dot_general3A_39 = arith.constant dense<0.000000e+00> : vector<512x1792xf32>
    %dot_general3A_40 = tpu.matmul %exp3A, %get3A_38, %dot_general3A_39 {dimension_numbers = #tpu.dot_dimension_numbers<[1], [0], [0], [1], [0, 0, 1, 1], [], []>, transpose_lhs_hint = false} : vector<512x56xf32>, vector<56x1792xf32>, vector<512x1792xf32> -> vector<512x1792xf32>
    %mul3A_41 = arith.mulf %dot_general3A_40, %get3A_1 : vector<512x1792xf32>
    %get3A_42 = arith.constant 0 : index
    %get3A_43 = arith.constant 0 : index
    %get3A_44 = vector.load %arg6[%get3A_42, %get3A_43] : memref<1792x32xf32, #tpu.memory_space<vmem>>, vector<1792x32xf32>
    %dot_general3A_45 = arith.constant dense<0.000000e+00> : vector<512x32xf32>
    %dot_general3A_46 = tpu.matmul %mul3A_41, %get3A_44, %dot_general3A_45 {dimension_numbers = #tpu.dot_dimension_numbers<[1], [0], [0], [1], [0, 0, 1, 1], [], []>, transpose_lhs_hint = false} : vector<512x1792xf32>, vector<1792x32xf32>, vector<512x32xf32> -> vector<512x32xf32>
    %div3A = vector.broadcast %broadcast_in_dim3A_35 : vector<512x1xf32> to vector<512x32xf32>
    %div3A_47 = arith.divf %dot_general3A_46, %div3A : vector<512x32xf32>
    %get3A_48 = arith.constant 0 : index
    %get3A_49 = arith.constant 0 : index
    %get3A_50 = vector.load %arg9[%get3A_48, %get3A_49] : memref<32x32xf32, #tpu.memory_space<vmem>>, vector<32x32xf32>
    %dot_general3A_51 = arith.constant dense<0.000000e+00> : vector<512x32xf32>
    %dot_general3A_52 = tpu.matmul %div3A_47, %get3A_50, %dot_general3A_51 {dimension_numbers = #tpu.dot_dimension_numbers<[1], [0], [0], [1], [0, 0, 1, 1], [], []>, transpose_lhs_hint = false} : vector<512x32xf32>, vector<32x32xf32>, vector<512x32xf32> -> vector<512x32xf32>
    %get3A_53 = arith.constant 0 : index
    %get3A_54 = arith.constant 0 : index
    %get3A_55 = vector.load %arg10[%get3A_53, %get3A_54] : memref<1x32xf32, #tpu.memory_space<vmem>>, vector<1x32xf32>
    %add3A_56 = vector.broadcast %get3A_55 : vector<1x32xf32> to vector<512x32xf32>
    %add3A_57 = arith.addf %dot_general3A_52, %add3A_56 : vector<512x32xf32>
    %max3A = arith.constant 0.000000e+00 : f32
    %max3A_58 = vector.broadcast %max3A : f32 to vector<512x32xf32>
    %max3A_59 = arith.maximumf %add3A_57, %max3A_58 : vector<512x32xf32>
    %get3A_60 = arith.constant 0 : index
    %get3A_61 = arith.constant 0 : index
    %get3A_62 = vector.load %arg11[%get3A_60, %get3A_61] : memref<32x32xf32, #tpu.memory_space<vmem>>, vector<32x32xf32>
    %dot_general3A_63 = arith.constant dense<0.000000e+00> : vector<512x32xf32>
    %dot_general3A_64 = tpu.matmul %max3A_59, %get3A_62, %dot_general3A_63 {dimension_numbers = #tpu.dot_dimension_numbers<[1], [0], [0], [1], [0, 0, 1, 1], [], []>, transpose_lhs_hint = false} : vector<512x32xf32>, vector<32x32xf32>, vector<512x32xf32> -> vector<512x32xf32>
    %get3A_65 = arith.constant 0 : index
    %get3A_66 = arith.constant 0 : index
    %get3A_67 = vector.load %arg12[%get3A_65, %get3A_66] : memref<1x32xf32, #tpu.memory_space<vmem>>, vector<1x32xf32>
    %add3A_68 = vector.broadcast %get3A_67 : vector<1x32xf32> to vector<512x32xf32>
    %add3A_69 = arith.addf %dot_general3A_64, %add3A_68 : vector<512x32xf32>
    %get3A_70 = arith.constant 0 : index
    %get3A_71 = arith.constant 0 : index
    %get3A_72 = vector.load %arg13[%get3A_70, %get3A_71] : memref<32x32xf32, #tpu.memory_space<vmem>>, vector<32x32xf32>
    %dot_general3A_73 = arith.constant dense<0.000000e+00> : vector<512x32xf32>
    %dot_general3A_74 = tpu.matmul %get3A_4, %get3A_72, %dot_general3A_73 {dimension_numbers = #tpu.dot_dimension_numbers<[1], [0], [0], [1], [0, 0, 1, 1], [], []>, transpose_lhs_hint = false} : vector<512x32xf32>, vector<32x32xf32>, vector<512x32xf32> -> vector<512x32xf32>
    %get3A_75 = arith.constant 0 : index
    %get3A_76 = arith.constant 0 : index
    %get3A_77 = vector.load %arg14[%get3A_75, %get3A_76] : memref<32x32xf32, #tpu.memory_space<vmem>>, vector<32x32xf32>
    %dot_general3A_78 = arith.constant dense<0.000000e+00> : vector<512x32xf32>
    %dot_general3A_79 = tpu.matmul %add3A_69, %get3A_77, %dot_general3A_78 {dimension_numbers = #tpu.dot_dimension_numbers<[1], [0], [0], [1], [0, 0, 1, 1], [], []>, transpose_lhs_hint = false} : vector<512x32xf32>, vector<32x32xf32>, vector<512x32xf32> -> vector<512x32xf32>
    %add3A_80 = arith.addf %dot_general3A_74, %dot_general3A_79 : vector<512x32xf32>
    %get3A_81 = arith.constant 0 : index
    %get3A_82 = arith.constant 0 : index
    %get3A_83 = vector.load %arg15[%get3A_81, %get3A_82] : memref<1x32xf32, #tpu.memory_space<vmem>>, vector<1x32xf32>
    %add3A_84 = vector.broadcast %get3A_83 : vector<1x32xf32> to vector<512x32xf32>
    %add3A_85 = arith.addf %add3A_80, %add3A_84 : vector<512x32xf32>
    %max3A_86 = arith.constant 0.000000e+00 : f32
    %max3A_87 = vector.broadcast %max3A_86 : f32 to vector<512x32xf32>
    %max3A_88 = arith.maximumf %add3A_85, %max3A_87 : vector<512x32xf32>
    %get3A_89 = arith.constant 0 : index
    %get3A_90 = arith.constant 0 : index
    %get3A_91 = vector.load %arg16[%get3A_89, %get3A_90] : memref<32x1xf32, #tpu.memory_space<vmem>>, vector<32x1xf32>
    %dot_general3A_92 = arith.constant dense<0.000000e+00> : vector<512x1xf32>
    %dot_general3A_93 = tpu.matmul %get3A_7, %get3A_91, %dot_general3A_92 {dimension_numbers = #tpu.dot_dimension_numbers<[1], [0], [0], [1], [0, 0, 1, 1], [], []>, transpose_lhs_hint = false} : vector<512x32xf32>, vector<32x1xf32>, vector<512x1xf32> -> vector<512x1xf32>
    %get3A_94 = arith.constant 0 : index
    %get3A_95 = arith.constant 0 : index
    %get3A_96 = vector.load %arg17[%get3A_94, %get3A_95] : memref<32x1xf32, #tpu.memory_space<vmem>>, vector<32x1xf32>
    %dot_general3A_97 = arith.constant dense<0.000000e+00> : vector<512x1xf32>
    %dot_general3A_98 = tpu.matmul %max3A_88, %get3A_96, %dot_general3A_97 {dimension_numbers = #tpu.dot_dimension_numbers<[1], [0], [0], [1], [0, 0, 1, 1], [], []>, transpose_lhs_hint = false} : vector<512x32xf32>, vector<32x1xf32>, vector<512x1xf32> -> vector<512x1xf32>
    %add3A_99 = arith.addf %dot_general3A_93, %dot_general3A_98 : vector<512x1xf32>
    %get3A_100 = arith.constant 0 : index
    %get3A_101 = arith.constant 0 : index
    %get3A_102 = vector.load %arg18[%get3A_100, %get3A_101] : memref<1x1xf32, #tpu.memory_space<vmem>>, vector<1x1xf32>
    %get3A_103 = vector.extract %get3A_102[0, 0] : f32 from vector<1x1xf32>
    %add3A_104 = vector.broadcast %get3A_103 : f32 to vector<512x1xf32>
    %add3A_105 = arith.addf %add3A_99, %add3A_104 : vector<512x1xf32>
    %swap3A = arith.constant 0 : index
    %swap3A_106 = arith.constant 0 : index
    %swap3A_107 = vector.load %arg19[%swap3A, %swap3A_106] : memref<512x1xf32, #tpu.memory_space<vmem>>, vector<512x1xf32>
    tpu.vector_store %arg19[%swap3A, %swap3A_106], %add3A_105 {strides = array<i32>} : memref<512x1xf32, #tpu.memory_space<vmem>>, vector<512x1xf32>,
    return
  }
  func.func @transform_0(%arg0: i32) -> (i32, i32) {
    %c0_i32 = arith.constant 0 : i32
    %c0_i32_0 = arith.constant 0 : i32
    return %arg0, %c0_i32 : i32, i32
  }
  func.func @transform_1(%arg0: i32) -> (i32, i32) {
    %c0_i32 = arith.constant 0 : i32
    %c0_i32_0 = arith.constant 0 : i32
    return %arg0, %c0_i32 : i32, i32
  }
  func.func @transform_2(%arg0: i32) -> (i32, i32) {
    %c0_i32 = arith.constant 0 : i32
    %c0_i32_0 = arith.constant 0 : i32
    return %arg0, %c0_i32 : i32, i32
  }
  func.func @transform_3(%arg0: i32) -> (i32, i32) {
    %c0_i32 = arith.constant 0 : i32
    %c0_i32_0 = arith.constant 0 : i32
    %c0_i32_1 = arith.constant 0 : i32
    return %c0_i32, %c0_i32_0 : i32, i32
  }
  func.func @transform_4(%arg0: i32) -> (i32, i32) {
    %c0_i32 = arith.constant 0 : i32
    %c0_i32_0 = arith.constant 0 : i32
    %c0_i32_1 = arith.constant 0 : i32
    return %c0_i32, %c0_i32_0 : i32, i32
  }
  func.func @transform_5(%arg0: i32) -> (i32, i32) {
    %c0_i32 = arith.constant 0 : i32
    %c0_i32_0 = arith.constant 0 : i32
    %c0_i32_1 = arith.constant 0 : i32
    return %c0_i32, %c0_i32_0 : i32, i32
  }
  func.func @transform_6(%arg0: i32) -> (i32, i32) {
    %c0_i32 = arith.constant 0 : i32
    %c0_i32_0 = arith.constant 0 : i32
    %c0_i32_1 = arith.constant 0 : i32
    return %c0_i32, %c0_i32_0 : i32, i32
  }
  func.func @transform_7(%arg0: i32) -> (i32, i32) {
    %c0_i32 = arith.constant 0 : i32
    %c0_i32_0 = arith.constant 0 : i32
    %c0_i32_1 = arith.constant 0 : i32
    return %c0_i32, %c0_i32_0 : i32, i32
  }
  func.func @transform_8(%arg0: i32) -> (i32, i32) {
    %c0_i32 = arith.constant 0 : i32
    %c0_i32_0 = arith.constant 0 : i32
    %c0_i32_1 = arith.constant 0 : i32
    return %c0_i32, %c0_i32_0 : i32, i32
  }
  func.func @transform_9(%arg0: i32) -> (i32, i32) {
    %c0_i32 = arith.constant 0 : i32
    %c0_i32_0 = arith.constant 0 : i32
    %c0_i32_1 = arith.constant 0 : i32
    return %c0_i32, %c0_i32_0 : i32, i32
  }
  func.func @transform_10(%arg0: i32) -> (i32, i32) {
    %c0_i32 = arith.constant 0 : i32
    %c0_i32_0 = arith.constant 0 : i32
    %c0_i32_1 = arith.constant 0 : i32
    return %c0_i32, %c0_i32_0 : i32, i32
  }
  func.func @transform_11(%arg0: i32) -> (i32, i32) {
    %c0_i32 = arith.constant 0 : i32
    %c0_i32_0 = arith.constant 0 : i32
    %c0_i32_1 = arith.constant 0 : i32
    return %c0_i32, %c0_i32_0 : i32, i32
  }
  func.func @transform_12(%arg0: i32) -> (i32, i32) {
    %c0_i32 = arith.constant 0 : i32
    %c0_i32_0 = arith.constant 0 : i32
    %c0_i32_1 = arith.constant 0 : i32
    return %c0_i32, %c0_i32_0 : i32, i32
  }
  func.func @transform_13(%arg0: i32) -> (i32, i32) {
    %c0_i32 = arith.constant 0 : i32
    %c0_i32_0 = arith.constant 0 : i32
    %c0_i32_1 = arith.constant 0 : i32
    return %c0_i32, %c0_i32_0 : i32, i32
  }
  func.func @transform_14(%arg0: i32) -> (i32, i32) {
    %c0_i32 = arith.constant 0 : i32
    %c0_i32_0 = arith.constant 0 : i32
    %c0_i32_1 = arith.constant 0 : i32
    return %c0_i32, %c0_i32_0 : i32, i32
  }
  func.func @transform_15(%arg0: i32) -> (i32, i32) {
    %c0_i32 = arith.constant 0 : i32
    %c0_i32_0 = arith.constant 0 : i32
    %c0_i32_1 = arith.constant 0 : i32
    return %c0_i32, %c0_i32_0 : i32, i32
  }
  func.func @transform_16(%arg0: i32) -> (i32, i32) {
    %c0_i32 = arith.constant 0 : i32
    %c0_i32_0 = arith.constant 0 : i32
    %c0_i32_1 = arith.constant 0 : i32
    return %c0_i32, %c0_i32_0 : i32, i32
  }
  func.func @transform_17(%arg0: i32) -> (i32, i32) {
    %c0_i32 = arith.constant 0 : i32
    %c0_i32_0 = arith.constant 0 : i32
    %c0_i32_1 = arith.constant 0 : i32
    return %c0_i32, %c0_i32_0 : i32, i32
  }
  func.func @transform_18(%arg0: i32) -> (i32, i32) {
    %c0_i32 = arith.constant 0 : i32
    %c0_i32_0 = arith.constant 0 : i32
    return %arg0, %c0_i32 : i32, i32
  }
}

</mosaic_0001>

<sc_bundles>
// kernel: kernel.6.cloned.1.call-start
scs
__scs_entry_jumppad:
0x0: {  	(pc) =	sbr.rel $0x88, $3  }
0x1: {  	(tag) =	ssettag $0x0;
	lr =	simm.s32 $0x1  }
0x2: {  	[smem:$0x3F91] =	sst lr;
	_ =	strace $0xD0000000  }
0x3: {  	_ = 	snop  }
0x4: {  	_ = 	snop  }
0x5: {  	_ = 	snop  }
0x6: {  	_ = 	snop  }
0x7: {  	_ = 	snop  }
__scs_overlays_trampoline_lowered:
0x8: {  	[smem:$0x3FA0] =	sst s0  }
0x9: {  	[smem:$0x3FA1] =	sst s1  }
0xa: {  	[smem:$0x3FA2] =	sst s2  }
0xb: {  	[smem:$0x3FA3] =	sst s3  }
0xc: {  	[smem:$0x3FA4] =	sst s4  }
0xd: {  	[smem:$0x3FA5] =	sst s5  }
0xe: {  	[smem:$0x3FA6] =	sst s6  }
0xf: {  	[smem:$0x3FA7] =	sst s7  }
0x10: {  	[smem:$0x3FA8] =	sst s8  }
0x11: {  	[smem:$0x3FA9] =	sst s9;
	s0 =	simm.s32 @!p0 $0x0  }
0x12: {  	s1 =	sld [smem:$0x3F8F];
	s0 =	simm.s32 @p0 $0x1  }
0x13: {  	[smem:$0x3FAA] =	sst s0;
	s0 =	simm.s32 @!p1 $0x0  }
0x14: {  	s2 =	sld [smem:$0x3F8E];
	s0 =	simm.s32 @p1 $0x1  }
0x15: {  	[smem:$0x3FAB] =	sst s0;
	s0 =	simm.s32 @!p2 $0x0  }
0x16: {  	s3 =	sld [smem:$0x3FDB];
	s0 =	simm.s32 @p2 $0x1  }
0x17: {  	s4 =	simm.s32 $0x1BF5;
	[smem:$0x3FAD] =	sst s0  }
0x18: {  	s0 =	sld [smem:$0x3F90];
	_ =	swait.ge [sflag:s4], $0x0  }
0x19: {  	s7 =	sld [smem:$0x3F91]  }
0x1a: {  	s8 =	sadd.s32 $0xFFFFE003, lr  }
0x1b: {  	s9 =	sadd.s32 $0xFFFFFEF7, lr;
	s5 =	simm.s32 $0xFFFFFFFF;
	p2 =	slt.u32 s8, $0xFFFFF086  }
0x1c: {  	p1 =	slt.u32 s9, $0xF7A;
	s5 =	simm.s32 @!p2 $0x0  }
0x1d: {  	s5 =	simm.s32 @p1 $0x1;
	p0 =	seq.s32 s7, s2  }
0x1e: {  	s7 =	smul.u32 @!p0 $0xF7A, s2;
	p2 =	seq.s32 @!p0 s5, $0x0  }
0x1f: {  	s9 =	smul.u32 $0xF7A, s1;
	s8 =	simm.s32 @!p0 $0x1BF5;
	p2 =	por !p2, p0  }
0x20: {  	[sflag:s8] =	ssyncset.s32 @!p0 $0xFFFFF086;
	s6 =	sadd.s32 @!p0 s3, s7;
	s7 =	simm.s32 @!p0 $0x108  }
0x21: {  	s3 =	sadd.s32 s3, s9;
	s6 =	sadd.s32 @!p0 $0x88, s6;
	s7 =	simm.s32 @p2 $0x1082  }
0x22: {  	[simem:s7], [sflag:s8] =	dma.local @!p0 [hbm:s6], $0xF7A  }
0x23: {  	s9 =	sor.u32 $0xD0000000, s2;
	s6 =	simm.s32 $0x108;
	_ =	swait.ge @!p0 [sflag:s8], $0x0  }
0x24: {  	s3 =	sadd.s32 $0x88, s3;
	s6 =	simm.s32 @!p1 $0x1082;
	[sflag:s4] =	ssyncset.s32 $0xFFFFF086  }
0x25: {  	[simem:s6], [sflag:s4] =	dma.local [hbm:s3], $0xF7A  }
0x26: {  	[smem:$0x3F91] =	sst s1;
	(tag) =	ssettag s2;
	_ =	strace s9  }
0x27: {  	s1 =	sld [smem:$0x3FA1]  }
0x28: {  	s2 =	sld [smem:$0x3FA2]  }
0x29: {  	s4 =	sld [smem:$0x3FA4]  }
0x2a: {  	p0 =	seq.s32 s5, $0x0;
	s5 =	sld [smem:$0x3FA5]  }
0x2b: {  	s6 =	sld [smem:$0x3FA6]  }
0x2c: {  	s7 =	sld [smem:$0x3FA7]  }
0x2d: {  	s3 =	simm.s32 $0x108;
	s8 =	sld [smem:$0x3FA8]  }
0x2e: {  	s3 =	simm.s32 @!p0 $0x1082;
	s9 =	sld [smem:$0x3FA9]  }
0x2f: {  	lr =	sadd.s32 s0, s3;
	s0 =	sld [smem:$0x3FA0]  }
0x30: {  	s3 =	sld [smem:$0x3FA3]  }
0x31: {  	[smem:$0x3FAC] =	sst s10  }
0x32: {  	s10 =	sld [smem:$0x3FAA];
	_ =	sdelay $0x3  }
0x33: {  	p0 =	seq.s32 s10, $0x1;
	s10 =	sld [smem:$0x3FAC];
	_ =	sdelay $0x3  }
0x34: {  	[smem:$0x3FAC] =	sst s10  }
0x35: {  	s10 =	sld [smem:$0x3FAB];
	_ =	sdelay $0x3  }
0x36: {  	p1 =	seq.s32 s10, $0x1;
	s10 =	sld [smem:$0x3FAC];
	_ =	sdelay $0x3  }
0x37: {  	[smem:$0x3FAC] =	sst s10  }
0x38: {  	s10 =	sld [smem:$0x3FAD]  }
0x39: {  	_ = 	snop;
	(pc) =	sbr.ind lr, $3  }
0x3a: {  	_ = 	snop  }
0x3b: {  	_ = 	snop  }
0x3c: {  	p2 =	seq.s32 s10, $0x1;
	s10 =	sld [smem:$0x3FAC]  }
0x3d: {  	_ =	shalt  }
0x3e: {  	_ =	shalt  }
0x3f: {  	_ =	shalt  }
0x40: {  	_ =	shalt  }
0x41: {  	_ =	shalt  }
0x42: {  	_ =	shalt  }
0x43: {  	_ =	shalt  }
0x44: {  	_ =	shalt  }
0x45: {  	_ =	shalt  }
0x46: {  	_ =	shalt  }
0x47: {  	_ =	shalt  }
0x48: {  	_ =	shalt  }
0x49: {  	_ =	shalt  }
0x4a: {  	_ =	shalt  }
0x4b: {  	_ =	shalt  }
0x4c: {  	_ =	shalt  }
0x4d: {  	_ =	shalt  }
0x4e: {  	_ =	shalt  }
0x4f: {  	_ =	shalt  }
0x50: {  	_ =	shalt  }
0x51: {  	_ =	shalt  }
0x52: {  	_ =	shalt  }
0x53: {  	_ =	shalt  }
0x54: {  	_ =	shalt  }
0x55: {  	_ =	shalt  }
0x56: {  	_ =	shalt  }
0x57: {  	_ =	shalt  }
0x58: {  	_ =	shalt  }
0x59: {  	_ =	shalt  }
0x5a: {  	_ =	shalt  }
0x5b: {  	_ =	shalt  }
0x5c: {  	_ =	shalt  }
0x5d: {  	_ =	shalt  }
0x5e: {  	_ =	shalt  }
0x5f: {  	_ =	shalt  }
0x60: {  	_ =	shalt  }
0x61: {  	_ =	shalt  }
0x62: {  	_ =	shalt  }
0x63: {  	_ =	shalt  }
0x64: {  	_ =	shalt  }
0x65: {  	_ =	shalt  }
0x66: {  	_ =	shalt  }
0x67: {  	_ =	shalt  }
0x68: {  	_ =	shalt  }
0x69: {  	_ =	shalt  }
0x6a: {  	_ =	shalt  }
0x6b: {  	_ =	shalt  }
0x6c: {  	_ =	shalt  }
0x6d: {  	_ =	shalt  }
0x6e: {  	_ =	shalt  }
0x6f: {  	_ =	shalt  }
0x70: {  	_ =	shalt  }
0x71: {  	_ =	shalt  }
0x72: {  	_ =	shalt  }
0x73: {  	_ =	shalt  }
0x74: {  	_ =	shalt  }
0x75: {  	_ =	shalt  }
0x76: {  	_ =	shalt  }
0x77: {  	_ =	shalt  }
0x78: {  	_ =	shalt  }
0x79: {  	_ =	shalt  }
0x7a: {  	_ =	shalt  }
0x7b: {  	_ =	shalt  }
0x7c: {  	_ =	shalt  }
0x7d: {  	_ =	shalt  }
0x7e: {  	_ =	shalt  }
0x7f: {  	_ =	shalt  }
0x80: {  	_ =	shalt  }
0x81: {  	_ =	shalt  }
0x82: {  	_ =	shalt  }
0x83: {  	_ =	shalt  }
0x84: {  	_ =	shalt  }
0x85: {  	_ =	shalt  }
0x86: {  	_ =	shalt  }
0x87: {  	_ =	shalt  }
.Lfunc_end0:
.L_simem_size_0:
called_computation_lowered:
.L_overlay_start_0:
0x88: {  	s2 =	sld [smem:$0x3FD9]  }
0x89: {  	s3 =	sld [smem:$0x3FFE];
	_ =	sdelay $0x1  }
0x8a: {  	s1 =	srdreg.scid  }
0x8b: {  	s0 =	sand.u32 $0x1, s1  }
0x8c: {  	s16 =	sshll.u32 s0, $0xA;
	s2 =	sadd.s32 s3, s2  }
0x8d: {  	s2 =	sadd.s32 s2, s16  }
0x8e: {  	[smem:$0x3FB8] =	sst s2  }
0x8f: {  	_ = 	snop  }
0x90: {  	(tm) =	ssettm $0x1  }
0x91: {  	s17 =	sld [smem:$0x3FFB];
	_ =	sdelay $0x3  }
0x92: {  	_ =	strace s17  }
0x93: {  	s2 =	sld [smem:$0x3FFC];
	_ =	sdelay $0x3  }
0x94: {  	_ =	strace s2  }
0x95: {  	s2 =	sld [smem:$0x3FFD];
	_ =	sdelay $0x3  }
0x96: {  	_ =	strace s2  }
0x97: {  	_ =	strace $0x8FFFFFFF  }
0x98: {  	s18 =	sld [smem:$0x3FDB];
	_ =	sdelay $0x1  }
0x99: {  	s19 =	simm.s32 $_scs_section_size  }
0x9a: {  	s4 =	simm.s32 $_size__tile_overlayer_lowered;
	s5 =	simm.s32 $_tile_overlayer_lowered  }
0x9b: {  	s22 =	simm.s32 $0x1BFF;
	s21 =	sshll.u32 s5, $0x1;
	s2 =	sadd.s32 s19, s18  }
0x9c: {  	s6 =	simm.s32 $0x0;
	s20 =	sshll.u32 s4, $0x1;
	s4 =	sadd.s32 s21, s2  }
0x9d: {  	[timem:s6], [sflag:s22] =	dma.local [hbm:s4], s20  }
0x9e: {  	_ =	swait.ge [sflag:s22], s20  }
0x9f: {  	s3 =	ssub.s32 $0x0, s20;
	[sflag:s22] =	ssyncset.done $0x0  }
0xa0: {  	[sflag:s22] =	ssyncadd.s32 s3;
	_ =	sdelay $0x1  }
0xa1: {  	s23 =	simm.s32 $0x1B8B  }
0xa2: {  	_ =	swait.ge [sflag:s23], $0x1  }
0xa3: {  	[sflag:s23] =	ssyncset.done $0x0  }
0xa4: {  	s25 =	simm.s32 $0x1B8E;
	s24 =	sld [smem:$0x3FFE];
	[sflag:s23] =	ssyncadd.s32 $0xFFFFFFFF  }
0xa5: {  	s26 =	simm.s32 $execute0_lowered;
	[smem:$0x3FD2] =	sst s25  }
0xa6: {  	s4 =	sshll.u32 s26, $0x1;
	_ =	strace $0x80000046;
	[dreg:$0x1] =	wrdreg $0xFFFFFFFF  }
0xa7: {  	s28 =	simm.s32 $_size_execute0_lowered;
	s2 =	sadd.s32 s2, s4;
	[dreg:$0x0] =	wrdreg $0x0  }
0xa8: {  	s4 =	sshll.u32 s28, $0x1;
	[dreg:$0x2] =	wrdreg s2  }
0xa9: {  	[dreg:$0x3] =	wrdreg s4  }
0xaa: {  	[dreg:$0x4] =	wrdreg $0xC0  }
0xab: {  	_ =	task [dreg:s6], $0x5FFFF  }
0xac: {  	[dreg:$0x1] =	wrdreg $0xFFFFFFFF  }
0xad: {  	[dreg:$0x0] =	wrdreg $0x60  }
0xae: {  	[dreg:$0x2] =	wrdreg s24  }
0xaf: {  	[dreg:$0x3] =	wrdreg $0x9  }
0xb0: {  	_ =	task.clear_ibuf [dreg:s6], $0x4FFFF;
	_ =	strace $0x90000046  }
0xb1: {  	s29 =	simm.s32 $0x9;
	_ =	strace $0x80000048  }
0xb2: {  	_ =	swait.ge [sflag:s29], $0x1  }
0xb3: {  	[sflag:s29] =	ssyncadd.s32 $0xFFFFFFFF  }
0xb4: {  	_ =	strace $0x90000048  }
0xb5: {  	_ =	sfence  }
0xb6: {  	s30 =	sld [smem:$0x0];
	_ =	sdelay $0x2  }
0xb7: {  	s31 =	sshll.u32 s1, $0xD;
	s1 =	sshrl.u32 s1, $0x2  }
0xb8: {  	s3 =	sand.u32 $0x4000, s31;
	s1 =	sadd.s32 s1, s30  }
0xb9: {  	s0 =	sor.u32 s3, s0;
	s1 =	sshll.u32 s1, $0x11  }
0xba: {  	s0 =	sor.u32 s1, s0  }
0xbb: {  	s0 =	sadd.s32 $0x8F2B, s0  }
0xbc: {  	[sflag:s0] =	ssyncadd.remote.s32 $0x1  }
0xbd: {  	_ =	sfence.sel $0xFFFF  }
0xbe: {  	[dreg:$0x0] =	wrdreg $0xFFFFFFFF;
	(pc) =	sbr.abs _section_cstart, $3  }
0xbf: {  	[dreg:$0x1] =	wrdreg $0xFFFFFFFF  }
0xc0: {  	_ =	task.clear_ibuf [dreg:s6], $0x2FFFF;
	_ =	strace $0x9FFFFFFF  }
0xc1: {  	(tm) =	ssettm $0x7FFFFFFF  }
tec
execute0_lowered:
.L_overlay_start_1:
0x0: {  	(tag) =	ssettag $0x1  }
0x1: {  	s1 =	srdreg.scid  }
0x2: {  	s0 =	stileid.u32;
	s8 =	rddreg [dreg:$0x0];
	s2 =	simm.s32 $0x0  }
0x3: {  	s15 =	simm.s32 $0x3800;
	s16 =	simm.s32 $0x4800;
	s17 =	simm.s32 $0x5800  }
0x4: {  	s18 =	simm.s32 $0x6800;
	s19 =	simm.s32 $0x7800;
	s20 =	simm.s32 $0x8800  }
0x5: {  	s21 =	simm.s32 $0x9800;
	s22 =	simm.s32 $0xA800;
	s23 =	simm.s32 $0x1  }
0x6: {  	s24 =	simm.s32 $0x0;
	s6 =	sand.u32 $0x1, s1;
	s1 =	rddreg [dreg:$0x1]  }
0x7: {  	s30 =	sshll.u32 s0, $0x1;
	s5 =	smul.u32 $0xE0000, s0;
	[smem:$0x7FF] =	sst s2  }
0x8: {  	s7 =	sor.u32 s6, s30;
	s9 =	smul.u32 $0x70000, s6;
	_ =	strace $0x80000047  }
0x9: {  	s6 =	ssub.s32 $0x2, s6;
	s3 =	smul.u32 $0x700, s7;
	s4 =	sshll.u32 s7, $0x5  }
0xa: {  	s7 =	sshll.u32 s7, $0xA;
	s31 =	sshrl.u32 s6, $0x1;
	s11 =	sadd.s32 s4, s8  }
0xb: {  	s4 =	sadd.s32 $0x1ED400, s8;
	s9 =	sadd.s32 s9, s5;
	s5 =	sadd.s32 $0x18B800, s8  }
0xc: {  	s13 =	sadd.s32 s7, s8;
	s14 =	ssub.s32 s6, s31;
	s10 =	sadd.s32 s3, s8  }
0xd: {  	s3 =	sadd.s32 $0xF47200, s8;
	s9 =	sshrl.u32 s9, $0x3;
	s7 =	sadd.s32 $0x13200, s11  }
0xe: {  	s12 =	sadd.s32 s9, s8;
	s6 =	sadd.s32 $0x4E00, s10;
	s8 =	sadd.s32 $0x1B600, s13  }
0xf: {  	s9 =	sadd.s32 $0x12E00, s11;
	s10 =	sadd.s32 $0x13600, s13;
	s11 =	smax.u32 s14, $0x1  }
0x10: {  	s13 =	simm.s32 $0x2;
	s14 =	simm.s32 $0x80;
	s12 =	sadd.s32 $0x24F000, s12  }
.LBB2_1:
0x11: {  	[tilespmem:s2], [sflag:$0x2] =	stream.linear.gather [hbm4b:s6+s2], $0x3800, $0x38;
	[tilespmem:$0xB800] =	vst v63  }
0x12: {  	_ =	swait.ge [sflag:s13], $0x3800  }
0x13: {  	[sflag:s13] =	ssyncset.done $0x0  }
0x14: {  	s25 =	simm.s32 $0x0;
	[sflag:s13] =	ssyncadd.s32 $0xFFFFC800  }
0x15: {  	[tilespmem:s15], [sflag:$0x1] =	stream.indirect.gather [hbm4b:s3+s14], $0x20, s25, s14, $0xb8;
	[tilespmem:$0xB800] =	vst v63  }
0x16: {  	s26 =	simm.s32 $0x80  }
0x17: {  	[tilespmem:s16], [sflag:$0x1] =	stream.indirect.gather [hbm4b:s3+s14], $0x20, s26, s14, $0xb8;
	[tilespmem:$0xB800] =	vst v63  }
0x18: {  	s28 =	simm.s32 $0x100  }
0x19: {  	[tilespmem:s17], [sflag:$0x1] =	stream.indirect.gather [hbm4b:s3+s14], $0x20, s28, s14, $0xb8;
	[tilespmem:$0xB800] =	vst v63  }
0x1a: {  	s30 =	simm.s32 $0x180  }
0x1b: {  	[tilespmem:s18], [sflag:$0x1] =	stream.indirect.gather [hbm4b:s3+s14], $0x20, s30, s14, $0xb8;
	[tilespmem:$0xB800] =	vst v63  }
0x1c: {  	s31 =	simm.s32 $0x200  }
0x1d: {  	[tilespmem:s19], [sflag:$0x1] =	stream.indirect.gather [hbm4b:s3+s14], $0x20, s31, s14, $0xb8;
	[tilespmem:$0xB800] =	vst v63  }
0x1e: {  	s26 =	simm.s32 $0x280  }
0x1f: {  	[tilespmem:s20], [sflag:$0x1] =	stream.indirect.gather [hbm4b:s3+s14], $0x20, s26, s14, $0xb8;
	[tilespmem:$0xB800] =	vst v63  }
0x20: {  	s28 =	simm.s32 $0x300  }
0x21: {  	[tilespmem:s21], [sflag:$0x1] =	stream.indirect.gather [hbm4b:s3+s14], $0x20, s28, s14, $0xb8;
	[tilespmem:$0xB800] =	vst v63  }
0x22: {  	s30 =	simm.s32 $0x380  }
0x23: {  	[tilespmem:s22], [sflag:$0x1] =	stream.indirect.gather [hbm4b:s3+s14], $0x20, s30, s14, $0xb8;
	[tilespmem:$0xB800] =	vst v63  }
0x24: {  	_ =	swait.ge [sflag:s23], $0x1000  }
0x25: {  	[sflag:s23] =	ssyncset.done $0x0  }
0x26: {  	[sflag:s23] =	ssyncadd.s32 $0xFFFFF000  }
0x27: {  	_ =	swait.ge [sflag:s23], $0x1000  }
0x28: {  	[sflag:s23] =	ssyncset.done $0x0  }
0x29: {  	[sflag:s23] =	ssyncadd.s32 $0xFFFFF000  }
0x2a: {  	_ =	swait.ge [sflag:s23], $0x1000  }
0x2b: {  	[sflag:s23] =	ssyncset.done $0x0  }
0x2c: {  	[sflag:s23] =	ssyncadd.s32 $0xFFFFF000  }
0x2d: {  	_ =	swait.ge [sflag:s23], $0x1000  }
0x2e: {  	[sflag:s23] =	ssyncset.done $0x0  }
0x2f: {  	[sflag:s23] =	ssyncadd.s32 $0xFFFFF000  }
0x30: {  	_ =	swait.ge [sflag:s23], $0x1000  }
0x31: {  	[sflag:s23] =	ssyncset.done $0x0  }
0x32: {  	[sflag:s23] =	ssyncadd.s32 $0xFFFFF000  }
0x33: {  	_ =	swait.ge [sflag:s23], $0x1000  }
0x34: {  	[sflag:s23] =	ssyncset.done $0x0  }
0x35: {  	[sflag:s23] =	ssyncadd.s32 $0xFFFFF000  }
0x36: {  	_ =	swait.ge [sflag:s23], $0x1000  }
0x37: {  	[sflag:s23] =	ssyncset.done $0x0  }
0x38: {  	[sflag:s23] =	ssyncadd.s32 $0xFFFFF000  }
0x39: {  	_ =	swait.ge [sflag:s23], $0x1000  }
0x3a: {  	[sflag:s23] =	ssyncset.done $0x0  }
0x3b: {  	s31 =	sadd.s32 $0x0, s12;
	[sflag:s23] =	ssyncadd.s32 $0xFFFFF000  }
0x3c: {  	[hbm4b:s31+s2] =	stream.linear.scatter [tilespmem:s15], [sflag:$0x2], $0x8000, $0x38;
	[tilespmem:$0xB800] =	vst v63  }
0x3d: {  	_ =	swait.ge [sflag:s13], $0x8000  }
0x3e: {  	s29 =	simm.s32 $0x2000;
	s25 =	simm.s32 $0x1000;
	[sflag:s13] =	ssyncset.done $0x0  }
.LBB2_2:
0x3f: {  	s30 =	sshra.s32 s25, $0x2  }
0x40: {  	[sflag:s13] =	ssyncadd.s32 $0xFFFF8000;
	s28 =	smov.u32 s29;
	s26 =	sadd.s32 $0x1000, s29  }
0x41: {  	[tilespmem:s15], [sflag:$0x1] =	stream.indirect.gather [hbm4b:s3+s14], $0x20, s30, s14, $0xb8;
	[tilespmem:$0xB800] =	vst v63  }
0x42: {  	p0 =	sne.s32 s29, $0xD000;
	s29 =	sadd.s32 $0x80, s30  }
0x43: {  	[tilespmem:s16], [sflag:$0x1] =	stream.indirect.gather [hbm4b:s3+s14], $0x20, s29, s14, $0xb8;
	[tilespmem:$0xB800] =	vst v63  }
0x44: {  	s29 =	sadd.s32 $0x100, s30  }
0x45: {  	[tilespmem:s17], [sflag:$0x1] =	stream.indirect.gather [hbm4b:s3+s14], $0x20, s29, s14, $0xb8;
	[tilespmem:$0xB800] =	vst v63  }
0x46: {  	s29 =	sadd.s32 $0x180, s30  }
0x47: {  	[tilespmem:s18], [sflag:$0x1] =	stream.indirect.gather [hbm4b:s3+s14], $0x20, s29, s14, $0xb8;
	[tilespmem:$0xB800] =	vst v63  }
0x48: {  	s29 =	sadd.s32 $0x200, s30  }
0x49: {  	[tilespmem:s19], [sflag:$0x1] =	stream.indirect.gather [hbm4b:s3+s14], $0x20, s29, s14, $0xb8;
	[tilespmem:$0xB800] =	vst v63  }
0x4a: {  	s29 =	sadd.s32 $0x280, s30  }
0x4b: {  	[tilespmem:s20], [sflag:$0x1] =	stream.indirect.gather [hbm4b:s3+s14], $0x20, s29, s14, $0xb8;
	[tilespmem:$0xB800] =	vst v63  }
0x4c: {  	s29 =	sadd.s32 $0x300, s30  }
0x4d: {  	[tilespmem:s21], [sflag:$0x1] =	stream.indirect.gather [hbm4b:s3+s14], $0x20, s29, s14, $0xb8;
	[tilespmem:$0xB800] =	vst v63  }
0x4e: {  	s29 =	sadd.s32 $0x380, s30  }
0x4f: {  	[tilespmem:s22], [sflag:$0x1] =	stream.indirect.gather [hbm4b:s3+s14], $0x20, s29, s14, $0xb8;
	[tilespmem:$0xB800] =	vst v63  }
0x50: {  	_ =	swait.ge [sflag:s23], $0x1000  }
0x51: {  	[sflag:s23] =	ssyncset.done $0x0  }
0x52: {  	[sflag:s23] =	ssyncadd.s32 $0xFFFFF000  }
0x53: {  	_ =	swait.ge [sflag:s23], $0x1000  }
0x54: {  	[sflag:s23] =	ssyncset.done $0x0  }
0x55: {  	[sflag:s23] =	ssyncadd.s32 $0xFFFFF000  }
0x56: {  	_ =	swait.ge [sflag:s23], $0x1000  }
0x57: {  	[sflag:s23] =	ssyncset.done $0x0  }
0x58: {  	[sflag:s23] =	ssyncadd.s32 $0xFFFFF000  }
0x59: {  	_ =	swait.ge [sflag:s23], $0x1000  }
0x5a: {  	[sflag:s23] =	ssyncset.done $0x0  }
0x5b: {  	[sflag:s23] =	ssyncadd.s32 $0xFFFFF000  }
0x5c: {  	_ =	swait.ge [sflag:s23], $0x1000  }
0x5d: {  	[sflag:s23] =	ssyncset.done $0x0  }
0x5e: {  	[sflag:s23] =	ssyncadd.s32 $0xFFFFF000  }
0x5f: {  	_ =	swait.ge [sflag:s23], $0x1000  }
0x60: {  	[sflag:s23] =	ssyncset.done $0x0  }
0x61: {  	[sflag:s23] =	ssyncadd.s32 $0xFFFFF000  }
0x62: {  	_ =	swait.ge [sflag:s23], $0x1000  }
0x63: {  	[sflag:s23] =	ssyncset.done $0x0  }
0x64: {  	[sflag:s23] =	ssyncadd.s32 $0xFFFFF000  }
0x65: {  	_ =	swait.ge [sflag:s23], $0x1000  }
.Ltmp0:
0x66: {  	[sflag:s23] =	ssyncset.done $0x0;
	(pc) =	sbr.rel @p0 .LBB2_2-.Ltmp0, $4  }
0x67: {  	s29 =	sadd.s32 s25, s12;
	s25 =	smov.u32 s28;
	[sflag:s23] =	ssyncadd.s32 $0xFFFFF000  }
0x68: {  	[hbm4b:s29+s2] =	stream.linear.scatter [tilespmem:s15], [sflag:$0x2], $0x8000, $0x38;
	[tilespmem:$0xB800] =	vst v63  }
0x69: {  	_ =	swait.ge [sflag:s13], $0x8000  }
0x6a: {  	s29 =	smov.u32 s26;
	[sflag:s13] =	ssyncset.done $0x0  }
0x6b: {  	s26 =	sshra.s32 s25, $0x2;
	[sflag:s13] =	ssyncadd.s32 $0xFFFF8000  }
0x6c: {  	[tilespmem:s15], [sflag:$0x1] =	stream.indirect.gather [hbm4b:s3+s14], $0x20, s26, s14, $0xb8;
	[tilespmem:$0xB800] =	vst v63  }
0x6d: {  	s28 =	sadd.s32 $0x80, s26  }
0x6e: {  	[tilespmem:s16], [sflag:$0x1] =	stream.indirect.gather [hbm4b:s3+s14], $0x20, s28, s14, $0xb8;
	[tilespmem:$0xB800] =	vst v63  }
0x6f: {  	s29 =	sadd.s32 $0x100, s26  }
0x70: {  	[tilespmem:s17], [sflag:$0x1] =	stream.indirect.gather [hbm4b:s3+s14], $0x20, s29, s14, $0xb8;
	[tilespmem:$0xB800] =	vst v63  }
0x71: {  	s30 =	sadd.s32 $0x180, s26  }
0x72: {  	[tilespmem:s18], [sflag:$0x1] =	stream.indirect.gather [hbm4b:s3+s14], $0x20, s30, s14, $0xb8;
	[tilespmem:$0xB800] =	vst v63  }
0x73: {  	s31 =	sadd.s32 $0x200, s26  }
0x74: {  	[tilespmem:s19], [sflag:$0x1] =	stream.indirect.gather [hbm4b:s3+s14], $0x20, s31, s14, $0xb8;
	[tilespmem:$0xB800] =	vst v63  }
0x75: {  	s29 =	sadd.s32 $0x280, s26  }
0x76: {  	[tilespmem:s20], [sflag:$0x1] =	stream.indirect.gather [hbm4b:s3+s14], $0x20, s29, s14, $0xb8;
	[tilespmem:$0xB800] =	vst v63  }
0x77: {  	s30 =	sadd.s32 $0x300, s26  }
0x78: {  	[tilespmem:s21], [sflag:$0x1] =	stream.indirect.gather [hbm4b:s3+s14], $0x20, s30, s14, $0xb8;
	[tilespmem:$0xB800] =	vst v63  }
0x79: {  	s26 =	sadd.s32 $0x380, s26  }
0x7a: {  	[tilespmem:s22], [sflag:$0x1] =	stream.indirect.gather [hbm4b:s3+s14], $0x20, s26, s14, $0xb8;
	[tilespmem:$0xB800] =	vst v63  }
0x7b: {  	_ =	swait.ge [sflag:s23], $0x1000  }
0x7c: {  	[sflag:s23] =	ssyncset.done $0x0  }
0x7d: {  	[sflag:s23] =	ssyncadd.s32 $0xFFFFF000  }
0x7e: {  	_ =	swait.ge [sflag:s23], $0x1000  }
0x7f: {  	[sflag:s23] =	ssyncset.done $0x0  }
0x80: {  	[sflag:s23] =	ssyncadd.s32 $0xFFFFF000  }
0x81: {  	_ =	swait.ge [sflag:s23], $0x1000  }
0x82: {  	[sflag:s23] =	ssyncset.done $0x0  }
0x83: {  	[sflag:s23] =	ssyncadd.s32 $0xFFFFF000  }
0x84: {  	_ =	swait.ge [sflag:s23], $0x1000  }
0x85: {  	[sflag:s23] =	ssyncset.done $0x0  }
0x86: {  	[sflag:s23] =	ssyncadd.s32 $0xFFFFF000  }
0x87: {  	_ =	swait.ge [sflag:s23], $0x1000  }
0x88: {  	[sflag:s23] =	ssyncset.done $0x0  }
0x89: {  	[sflag:s23] =	ssyncadd.s32 $0xFFFFF000  }
0x8a: {  	_ =	swait.ge [sflag:s23], $0x1000  }
0x8b: {  	[sflag:s23] =	ssyncset.done $0x0  }
0x8c: {  	[sflag:s23] =	ssyncadd.s32 $0xFFFFF000  }
0x8d: {  	_ =	swait.ge [sflag:s23], $0x1000  }
0x8e: {  	[sflag:s23] =	ssyncset.done $0x0  }
0x8f: {  	[sflag:s23] =	ssyncadd.s32 $0xFFFFF000  }
0x90: {  	_ =	swait.ge [sflag:s23], $0x1000  }
0x91: {  	[sflag:s23] =	ssyncset.done $0x0  }
0x92: {  	s31 =	sadd.s32 s25, s12;
	[sflag:s23] =	ssyncadd.s32 $0xFFFFF000  }
0x93: {  	[hbm4b:s31+s2] =	stream.linear.scatter [tilespmem:s15], [sflag:$0x2], $0x8000, $0x38;
	[tilespmem:$0xB800] =	vst v63  }
0x94: {  	_ =	swait.ge [sflag:s13], $0x8000  }
0x95: {  	[sflag:s13] =	ssyncset.done $0x0  }
0x96: {  	[sflag:s13] =	ssyncadd.s32 $0xFFFF8000  }
0x97: {  	[tilespmem:s2], [sflag:$0x2] =	stream.linear.gather [hbm4b:s7+s2], $0x100, $0x38;
	[tilespmem:$0xB800] =	vst v63  }
0x98: {  	_ =	swait.ge [sflag:s13], $0x100  }
0x99: {  	[sflag:s13] =	ssyncset.done $0x0  }
0x9a: {  	[sflag:s13] =	ssyncadd.s32 $0xFFFFFF00  }
0x9b: {  	[tilespmem:s15], [sflag:$0x1] =	stream.indirect.gather [hbm4b:s4+s14], $0x20, s2, s14, $0xb8;
	[tilespmem:$0xB800] =	vst v63  }
0x9c: {  	_ = 	snop  }
0x9d: {  	[tilespmem:s16], [sflag:$0x1] =	stream.indirect.gather [hbm4b:s4+s14], $0x20, s14, s14, $0xb8;
	[tilespmem:$0xB800] =	vst v63  }
0x9e: {  	_ =	swait.ge [sflag:s23], $0x1000  }
0x9f: {  	[sflag:s23] =	ssyncset.done $0x0  }
0xa0: {  	[sflag:s23] =	ssyncadd.s32 $0xFFFFF000  }
0xa1: {  	_ =	swait.ge [sflag:s23], $0x1000  }
0xa2: {  	[sflag:s23] =	ssyncset.done $0x0  }
0xa3: {  	[sflag:s23] =	ssyncadd.s32 $0xFFFFF000  }
0xa4: {  	[hbm4b:s8+s2] =	stream.linear.scatter [tilespmem:s15], [sflag:$0x2], $0x2000, $0x38;
	[tilespmem:$0xB800] =	vst v63  }
0xa5: {  	_ =	swait.ge [sflag:s13], $0x2000  }
0xa6: {  	[sflag:s13] =	ssyncset.done $0x0  }
0xa7: {  	[sflag:s13] =	ssyncadd.s32 $0xFFFFE000  }
0xa8: {  	[tilespmem:s2], [sflag:$0x2] =	stream.linear.gather [hbm4b:s9+s2], $0x100, $0x38;
	[tilespmem:$0xB800] =	vst v63  }
0xa9: {  	_ =	swait.ge [sflag:s13], $0x100  }
0xaa: {  	[sflag:s13] =	ssyncset.done $0x0  }
0xab: {  	[sflag:s13] =	ssyncadd.s32 $0xFFFFFF00  }
0xac: {  	[tilespmem:s15], [sflag:$0x1] =	stream.indirect.gather [hbm4b:s5+s14], $0x20, s2, s14, $0xb8;
	[tilespmem:$0xB800] =	vst v63  }
0xad: {  	_ = 	snop  }
0xae: {  	[tilespmem:s16], [sflag:$0x1] =	stream.indirect.gather [hbm4b:s5+s14], $0x20, s14, s14, $0xb8;
	[tilespmem:$0xB800] =	vst v63  }
0xaf: {  	_ =	swait.ge [sflag:s23], $0x1000  }
0xb0: {  	[sflag:s23] =	ssyncset.done $0x0  }
0xb1: {  	[sflag:s23] =	ssyncadd.s32 $0xFFFFF000  }
0xb2: {  	s24 =	sadd.s32 $0x1, s24;
	_ =	swait.ge [sflag:s23], $0x1000  }
0xb3: {  	p0 =	sne.s32 s24, s11;
	[sflag:s23] =	ssyncset.done $0x0  }
.Ltmp1:
0xb4: {  	[sflag:s23] =	ssyncadd.s32 $0xFFFFF000;
	(pc) =	sbr.rel @p0 .LBB2_1-.Ltmp1, $4  }
0xb5: {  	[hbm4b:s10+s2] =	stream.linear.scatter [tilespmem:s15], [sflag:$0x2], $0x2000, $0x38;
	[tilespmem:$0xB800] =	vst v63  }
0xb6: {  	_ =	swait.ge [sflag:s13], $0x2000  }
0xb7: {  	[sflag:s13] =	ssyncset.done $0x0  }
0xb8: {  	[sflag:s13] =	ssyncadd.s32 $0xFFFFE000  }
0xb9: {  	_ =	sfence.sel $0x180000  }
0xba: {  	[bflag:$0x0] =	sbarrier.arrive $0xFFFF  }
0xbb: {  	p0 =	sne.s32 s0, $0x0;
	_ =	strace $0x90000047  }
0xbc: {  	s0 =	sadd.s32 @!p0 $0x100000, s1;
	[bflag:$0x2] =	sbarrier.arrive $0xFFFF  }
0xbd: {  	[sflag:s0] =	ssyncadd.tile.s32 @!p0 $0x1;
	_ =	shalt  }
.Lfunc_end2:
_tile_overlayer_lowered:
.L_overlay_start_2:
0xbe: {  	(tag) =	ssettag $0x2  }
0xbf: {  	s0 =	rddreg [dreg:$0x0];
	s2 =	stileid.u32  }
0xc0: {  	s1 =	rddreg [dreg:$0x1];
	p0 =	sne.s32 s2, $0x0  }
0xc1: {  	s3 =	rddreg [dreg:$0x2];
	[bflag:$0x3] =	sbarrier.arrive $0xFFFF;
	s2 =	simm.s32 @!p0 $0x1C02  }
0xc2: {  	[timem:s3], [sflag:s2] =	dma.local @!p0 [hbm:s0], s1  }
0xc3: {  	s0 =	simm.s32 @!p0 $0x2  }
0xc4: {  	_ =	swait.ge @!p0 [sflag:s0], s1  }
0xc5: {  	s1 =	ssub.s32 @!p0 $0x0, s1;
	[sflag:s0] =	ssyncset.done @!p0 $0x0  }
0xc6: {  	[sflag:s0] =	ssyncadd.s32 @!p0 s1  }
0xc7: {  	[bflag:$0x3] =	sbarrier.arrive $0xFFFF  }
0xc8: {  	_ =	shalt  }

// kernel: kernel.9.cloned.1.call-start
scs
__scs_entry_jumppad:
0x0: {  	(pc) =	sbr.rel $0x88, $3  }
0x1: {  	(tag) =	ssettag $0x0;
	lr =	simm.s32 $0x1  }
0x2: {  	[smem:$0x3F91] =	sst lr;
	_ =	strace $0xD0000000  }
0x3: {  	_ = 	snop  }
0x4: {  	_ = 	snop  }
0x5: {  	_ = 	snop  }
0x6: {  	_ = 	snop  }
0x7: {  	_ = 	snop  }
__scs_overlays_trampoline_lowered:
0x8: {  	[smem:$0x3FA0] =	sst s0  }
0x9: {  	[smem:$0x3FA1] =	sst s1  }
0xa: {  	[smem:$0x3FA2] =	sst s2  }
0xb: {  	[smem:$0x3FA3] =	sst s3  }
0xc: {  	[smem:$0x3FA4] =	sst s4  }
0xd: {  	[smem:$0x3FA5] =	sst s5  }
0xe: {  	[smem:$0x3FA6] =	sst s6  }
0xf: {  	[smem:$0x3FA7] =	sst s7  }
0x10: {  	[smem:$0x3FA8] =	sst s8  }
0x11: {  	[smem:$0x3FA9] =	sst s9;
	s0 =	simm.s32 @!p0 $0x0  }
0x12: {  	s1 =	sld [smem:$0x3F8F];
	s0 =	simm.s32 @p0 $0x1  }
0x13: {  	[smem:$0x3FAA] =	sst s0;
	s0 =	simm.s32 @!p1 $0x0  }
0x14: {  	s2 =	sld [smem:$0x3F8E];
	s0 =	simm.s32 @p1 $0x1  }
0x15: {  	[smem:$0x3FAB] =	sst s0;
	s0 =	simm.s32 @!p2 $0x0  }
0x16: {  	s3 =	sld [smem:$0x3FDB];
	s0 =	simm.s32 @p2 $0x1  }
0x17: {  	s4 =	simm.s32 $0x1BF5;
	[smem:$0x3FAD] =	sst s0  }
0x18: {  	s0 =	sld [smem:$0x3F90];
	_ =	swait.ge [sflag:s4], $0x0  }
0x19: {  	s7 =	sld [smem:$0x3F91]  }
0x1a: {  	s8 =	sadd.s32 $0xFFFFE003, lr  }
0x1b: {  	s9 =	sadd.s32 $0xFFFFFEF7, lr;
	s5 =	simm.s32 $0xFFFFFFFF;
	p2 =	slt.u32 s8, $0xFFFFF086  }
0x1c: {  	p1 =	slt.u32 s9, $0xF7A;
	s5 =	simm.s32 @!p2 $0x0  }
0x1d: {  	s5 =	simm.s32 @p1 $0x1;
	p0 =	seq.s32 s7, s2  }
0x1e: {  	s7 =	smul.u32 @!p0 $0xF7A, s2;
	p2 =	seq.s32 @!p0 s5, $0x0  }
0x1f: {  	s9 =	smul.u32 $0xF7A, s1;
	s8 =	simm.s32 @!p0 $0x1BF5;
	p2 =	por !p2, p0  }
0x20: {  	[sflag:s8] =	ssyncset.s32 @!p0 $0xFFFFF086;
	s6 =	sadd.s32 @!p0 s3, s7;
	s7 =	simm.s32 @!p0 $0x108  }
0x21: {  	s3 =	sadd.s32 s3, s9;
	s6 =	sadd.s32 @!p0 $0x88, s6;
	s7 =	simm.s32 @p2 $0x1082  }
0x22: {  	[simem:s7], [sflag:s8] =	dma.local @!p0 [hbm:s6], $0xF7A  }
0x23: {  	s9 =	sor.u32 $0xD0000000, s2;
	s6 =	simm.s32 $0x108;
	_ =	swait.ge @!p0 [sflag:s8], $0x0  }
0x24: {  	s3 =	sadd.s32 $0x88, s3;
	s6 =	simm.s32 @!p1 $0x1082;
	[sflag:s4] =	ssyncset.s32 $0xFFFFF086  }
0x25: {  	[simem:s6], [sflag:s4] =	dma.local [hbm:s3], $0xF7A  }
0x26: {  	[smem:$0x3F91] =	sst s1;
	(tag) =	ssettag s2;
	_ =	strace s9  }
0x27: {  	s1 =	sld [smem:$0x3FA1]  }
0x28: {  	s2 =	sld [smem:$0x3FA2]  }
0x29: {  	s4 =	sld [smem:$0x3FA4]  }
0x2a: {  	p0 =	seq.s32 s5, $0x0;
	s5 =	sld [smem:$0x3FA5]  }
0x2b: {  	s6 =	sld [smem:$0x3FA6]  }
0x2c: {  	s7 =	sld [smem:$0x3FA7]  }
0x2d: {  	s3 =	simm.s32 $0x108;
	s8 =	sld [smem:$0x3FA8]  }
0x2e: {  	s3 =	simm.s32 @!p0 $0x1082;
	s9 =	sld [smem:$0x3FA9]  }
0x2f: {  	lr =	sadd.s32 s0, s3;
	s0 =	sld [smem:$0x3FA0]  }
0x30: {  	s3 =	sld [smem:$0x3FA3]  }
0x31: {  	[smem:$0x3FAC] =	sst s10  }
0x32: {  	s10 =	sld [smem:$0x3FAA];
	_ =	sdelay $0x3  }
0x33: {  	p0 =	seq.s32 s10, $0x1;
	s10 =	sld [smem:$0x3FAC];
	_ =	sdelay $0x3  }
0x34: {  	[smem:$0x3FAC] =	sst s10  }
0x35: {  	s10 =	sld [smem:$0x3FAB];
	_ =	sdelay $0x3  }
0x36: {  	p1 =	seq.s32 s10, $0x1;
	s10 =	sld [smem:$0x3FAC];
	_ =	sdelay $0x3  }
0x37: {  	[smem:$0x3FAC] =	sst s10  }
0x38: {  	s10 =	sld [smem:$0x3FAD]  }
0x39: {  	_ = 	snop;
	(pc) =	sbr.ind lr, $3  }
0x3a: {  	_ = 	snop  }
0x3b: {  	_ = 	snop  }
0x3c: {  	p2 =	seq.s32 s10, $0x1;
	s10 =	sld [smem:$0x3FAC]  }
0x3d: {  	_ =	shalt  }
0x3e: {  	_ =	shalt  }
0x3f: {  	_ =	shalt  }
0x40: {  	_ =	shalt  }
0x41: {  	_ =	shalt  }
0x42: {  	_ =	shalt  }
0x43: {  	_ =	shalt  }
0x44: {  	_ =	shalt  }
0x45: {  	_ =	shalt  }
0x46: {  	_ =	shalt  }
0x47: {  	_ =	shalt  }
0x48: {  	_ =	shalt  }
0x49: {  	_ =	shalt  }
0x4a: {  	_ =	shalt  }
0x4b: {  	_ =	shalt  }
0x4c: {  	_ =	shalt  }
0x4d: {  	_ =	shalt  }
0x4e: {  	_ =	shalt  }
0x4f: {  	_ =	shalt  }
0x50: {  	_ =	shalt  }
0x51: {  	_ =	shalt  }
0x52: {  	_ =	shalt  }
0x53: {  	_ =	shalt  }
0x54: {  	_ =	shalt  }
0x55: {  	_ =	shalt  }
0x56: {  	_ =	shalt  }
0x57: {  	_ =	shalt  }
0x58: {  	_ =	shalt  }
0x59: {  	_ =	shalt  }
0x5a: {  	_ =	shalt  }
0x5b: {  	_ =	shalt  }
0x5c: {  	_ =	shalt  }
0x5d: {  	_ =	shalt  }
0x5e: {  	_ =	shalt  }
0x5f: {  	_ =	shalt  }
0x60: {  	_ =	shalt  }
0x61: {  	_ =	shalt  }
0x62: {  	_ =	shalt  }
0x63: {  	_ =	shalt  }
0x64: {  	_ =	shalt  }
0x65: {  	_ =	shalt  }
0x66: {  	_ =	shalt  }
0x67: {  	_ =	shalt  }
0x68: {  	_ =	shalt  }
0x69: {  	_ =	shalt  }
0x6a: {  	_ =	shalt  }
0x6b: {  	_ =	shalt  }
0x6c: {  	_ =	shalt  }
0x6d: {  	_ =	shalt  }
0x6e: {  	_ =	shalt  }
0x6f: {  	_ =	shalt  }
0x70: {  	_ =	shalt  }
0x71: {  	_ =	shalt  }
0x72: {  	_ =	shalt  }
0x73: {  	_ =	shalt  }
0x74: {  	_ =	shalt  }
0x75: {  	_ =	shalt  }
0x76: {  	_ =	shalt  }
0x77: {  	_ =	shalt  }
0x78: {  	_ =	shalt  }
0x79: {  	_ =	shalt  }
0x7a: {  	_ =	shalt  }
0x7b: {  	_ =	shalt  }
0x7c: {  	_ =	shalt  }
0x7d: {  	_ =	shalt  }
0x7e: {  	_ =	shalt  }
0x7f: {  	_ =	shalt  }
0x80: {  	_ =	shalt  }
0x81: {  	_ =	shalt  }
0x82: {  	_ =	shalt  }
0x83: {  	_ =	shalt  }
0x84: {  	_ =	shalt  }
0x85: {  	_ =	shalt  }
0x86: {  	_ =	shalt  }
0x87: {  	_ =	shalt  }
.Lfunc_end0:
.L_simem_size_0:
called_computation.1_lowered:
.L_overlay_start_0:
0x88: {  	s2 =	sld [smem:$0x3FD9]  }
0x89: {  	s3 =	sld [smem:$0x3FFE];
	_ =	sdelay $0x1  }
0x8a: {  	s1 =	srdreg.scid  }
0x8b: {  	s0 =	sand.u32 $0x1, s1  }
0x8c: {  	s17 =	sshll.u32 s0, $0xA;
	s2 =	sadd.s32 s3, s2  }
0x8d: {  	s2 =	sadd.s32 s2, s17  }
0x8e: {  	[smem:$0x3FB8] =	sst s2  }
0x8f: {  	_ = 	snop  }
0x90: {  	s18 =	sld [smem:$0x3FD0];
	(tm) =	ssettm $0x1  }
0x91: {  	s19 =	sld [smem:$0x3FFB];
	_ =	sdelay $0x3  }
0x92: {  	_ =	strace s19  }
0x93: {  	s2 =	sld [smem:$0x3FFC];
	_ =	sdelay $0x3  }
0x94: {  	_ =	strace s2  }
0x95: {  	s2 =	sld [smem:$0x3FFD];
	_ =	sdelay $0x3  }
0x96: {  	_ =	strace s2  }
0x97: {  	_ =	strace $0x8FFFFFFF  }
0x98: {  	s20 =	sld [smem:$0x3FDB];
	_ =	sdelay $0x1  }
0x99: {  	s4 =	simm.s32 $_scs_section_size  }
0x9a: {  	s5 =	simm.s32 $_size__tile_overlayer_lowered;
	s6 =	simm.s32 $_tile_overlayer_lowered  }
0x9b: {  	s7 =	simm.s32 $0x1BFF;
	s21 =	sshll.u32 s6, $0x1;
	s4 =	sadd.s32 s4, s20  }
0x9c: {  	s22 =	simm.s32 $0x0;
	s5 =	sshll.u32 s5, $0x1;
	s6 =	sadd.s32 s21, s4  }
0x9d: {  	[timem:s22], [sflag:s7] =	dma.local [hbm:s6], s5  }
0x9e: {  	_ =	swait.ge [sflag:s7], s5  }
0x9f: {  	s5 =	ssub.s32 $0x0, s5;
	[sflag:s7] =	ssyncset.done $0x0  }
0xa0: {  	[sflag:s7] =	ssyncadd.s32 s5;
	_ =	sdelay $0x1  }
0xa1: {  	s23 =	simm.s32 $0x1B8B  }
0xa2: {  	_ =	swait.ge [sflag:s23], $0x1  }
0xa3: {  	[sflag:s23] =	ssyncset.done $0x0  }
0xa4: {  	[sflag:s23] =	ssyncadd.s32 $0xFFFFFFFF  }
0xa5: {  	s5 =	sld [smem:$0x0]  }
0xa6: {  	s6 =	sand.u32 $0xFFFFFFFE, s1  }
0xa7: {  	p0 =	sne.s32 s1, s6  }
0xa8: {  	s6 =	sshll.u32 @p0 s6, $0xE  }
0xa9: {  	s6 =	sadd.s32 @p0 $0x11B8D, s6;
	s7 =	sshll.u32 @p0 s5, $0x11  }
0xaa: {  	s6 =	sor.u32 @p0 s7, s6  }
0xab: {  	[sflag:s6] =	ssyncadd.remote.s32 @p0 $0x1;
	_ =	sdelay $0x1  }
0xac: {  	s6 =	simm.s32 @p0 $0x1B8D  }
0xad: {  	_ =	swait.eq @p0 [sflag:s6], $0x1  }
0xae: {  	[sflag:s6] =	ssyncadd.s32 @p0 $0xFFFFFFFF  }
0xaf: {  	s7 =	sshll.u32 @!p0 s1, $0xE  }
0xb0: {  	s7 =	sor.u32 @!p0 $0x4000, s7;
	s6 =	simm.s32 @!p0 $0x1B8D  }
0xb1: {  	s5 =	sshll.u32 @!p0 s5, $0x11;
	s7 =	sadd.s32 @!p0 $0x11B8D, s7;
	_ =	swait.eq @!p0 [sflag:s6], $0x1  }
0xb2: {  	s5 =	sor.u32 @!p0 s5, s7;
	[sflag:s6] =	ssyncadd.s32 @!p0 $0xFFFFFFFF  }
0xb3: {  	s25 =	simm.s32 $0x1B8E;
	s24 =	sld [smem:$0x3FFE];
	[sflag:s5] =	ssyncadd.remote.s32 @!p0 $0x1  }
0xb4: {  	s26 =	simm.s32 $execute0_lowered;
	[smem:$0x3FD2] =	sst s25  }
0xb5: {  	s6 =	sshll.u32 s26, $0x1;
	_ =	strace $0x80000049;
	[dreg:$0x1] =	wrdreg $0xFFFFFFFF  }
0xb6: {  	s28 =	simm.s32 $_size_execute0_lowered;
	s4 =	sadd.s32 s4, s6;
	[dreg:$0x0] =	wrdreg $0x0  }
0xb7: {  	s6 =	sshll.u32 s28, $0x1;
	[dreg:$0x2] =	wrdreg s4  }
0xb8: {  	[dreg:$0x3] =	wrdreg s6  }
0xb9: {  	[dreg:$0x4] =	wrdreg $0xC0  }
0xba: {  	_ =	task [dreg:s22], $0x5FFFF  }
0xbb: {  	[dreg:$0x1] =	wrdreg $0xFFFFFFFF  }
0xbc: {  	[dreg:$0x0] =	wrdreg $0x60  }
0xbd: {  	[dreg:$0x2] =	wrdreg s24  }
0xbe: {  	[dreg:$0x3] =	wrdreg s18  }
0xbf: {  	[dreg:$0x4] =	wrdreg $0xA  }
0xc0: {  	_ =	task.clear_ibuf [dreg:s22], $0x5FFFF;
	_ =	strace $0x90000049  }
0xc1: {  	s29 =	simm.s32 $0xA;
	_ =	strace $0x8000004B  }
0xc2: {  	_ =	swait.ge [sflag:s29], $0x1  }
0xc3: {  	[sflag:s29] =	ssyncadd.s32 $0xFFFFFFFF  }
0xc4: {  	_ =	strace $0x9000004B  }
0xc5: {  	_ =	sfence  }
0xc6: {  	s30 =	sld [smem:$0x0];
	_ =	sdelay $0x2  }
0xc7: {  	s31 =	sshll.u32 s1, $0xD;
	s1 =	sshrl.u32 s1, $0x2  }
0xc8: {  	s4 =	sand.u32 $0x4000, s31;
	s1 =	sadd.s32 s1, s30  }
0xc9: {  	s0 =	sor.u32 s4, s0;
	s1 =	sshll.u32 s1, $0x11  }
0xca: {  	s0 =	sor.u32 s1, s0  }
0xcb: {  	s0 =	sadd.s32 $0x8F2B, s0  }
0xcc: {  	[sflag:s0] =	ssyncadd.remote.s32 $0x1  }
0xcd: {  	_ =	sfence.sel $0xFFFF  }
0xce: {  	[dreg:$0x0] =	wrdreg $0xFFFFFFFF;
	(pc) =	sbr.abs _section_cstart, $3  }
0xcf: {  	[dreg:$0x1] =	wrdreg $0xFFFFFFFF  }
0xd0: {  	_ =	task.clear_ibuf [dreg:s22], $0x2FFFF;
	_ =	strace $0x9FFFFFFF  }
0xd1: {  	(tm) =	ssettm $0x7FFFFFFF  }
tec
execute0_lowered:
.L_overlay_start_1:
0x0: {  	(tag) =	ssettag $0x1  }
0x1: {  	s1 =	srdreg.scid;
	s7 =	rddreg [dreg:$0x0]  }
0x2: {  	s0 =	stileid.u32;
	s9 =	rddreg [dreg:$0x1];
	s2 =	simm.s32 $0x0  }
0x3: {  	s16 =	simm.s32 $0x4800;
	s17 =	simm.s32 $0x5800;
	s18 =	simm.s32 $0x6800  }
0x4: {  	s19 =	simm.s32 $0x7800;
	s20 =	simm.s32 $0x8800;
	s21 =	simm.s32 $0x9800  }
0x5: {  	s22 =	simm.s32 $0xA800;
	s23 =	simm.s32 $0x1;
	s24 =	simm.s32 $0x0  }
0x6: {  	s6 =	sand.u32 $0x1, s1;
	s30 =	sshll.u32 s0, $0x1;
	s1 =	rddreg [dreg:$0x2]  }
0x7: {  	s5 =	smul.u32 $0xE0000, s0;
	[smem:$0x7FF] =	sst s2;
	s4 =	sadd.s32 $0x1ED400, s7  }
0x8: {  	s8 =	sor.u32 s6, s30;
	s11 =	smul.u32 $0x70000, s6;
	_ =	strace $0x8000004A  }
0x9: {  	s6 =	ssub.s32 $0x2, s6;
	s3 =	smul.u32 $0x700, s8;
	s10 =	sshll.u32 s8, $0x5  }
0xa: {  	s8 =	sshll.u32 s8, $0xA;
	s31 =	sshrl.u32 s6, $0x1;
	s13 =	sadd.s32 s10, s7  }
0xb: {  	s11 =	sadd.s32 s11, s5;
	s5 =	sadd.s32 $0x18B800, s7;
	s15 =	sadd.s32 s8, s7  }
0xc: {  	s12 =	sadd.s32 s3, s7;
	s3 =	sadd.s32 $0xF47200, s7;
	s11 =	sshrl.u32 s11, $0x3  }
0xd: {  	s8 =	sadd.s32 $0x39A00, s15;
	s14 =	sadd.s32 s11, s7;
	s11 =	ssub.s32 s6, s31  }
0xe: {  	s6 =	sadd.s32 $0x23600, s12;
	s7 =	sadd.s32 s9, s10;
	s9 =	sadd.s32 $0x31600, s13  }
0xf: {  	s10 =	sadd.s32 $0x31A00, s15;
	s13 =	simm.s32 $0x2;
	s15 =	simm.s32 $0x3800  }
0x10: {  	s11 =	smax.u32 s11, $0x1;
	s12 =	sadd.s32 $0x40F000, s14;
	s14 =	simm.s32 $0x80  }
.LBB2_1:
0x11: {  	[tilespmem:s2], [sflag:$0x2] =	stream.linear.gather [hbm4b:s6+s2], $0x3800, $0x38;
	[tilespmem:$0xB800] =	vst v63  }
0x12: {  	_ =	swait.ge [sflag:s13], $0x3800  }
0x13: {  	[sflag:s13] =	ssyncset.done $0x0  }
0x14: {  	s25 =	simm.s32 $0x0;
	[sflag:s13] =	ssyncadd.s32 $0xFFFFC800  }
0x15: {  	[tilespmem:s15], [sflag:$0x1] =	stream.indirect.gather [hbm4b:s3+s14], $0x20, s25, s14, $0xb8;
	[tilespmem:$0xB800] =	vst v63  }
0x16: {  	s26 =	simm.s32 $0x80  }
0x17: {  	[tilespmem:s16], [sflag:$0x1] =	stream.indirect.gather [hbm4b:s3+s14], $0x20, s26, s14, $0xb8;
	[tilespmem:$0xB800] =	vst v63  }
0x18: {  	s28 =	simm.s32 $0x100  }
0x19: {  	[tilespmem:s17], [sflag:$0x1] =	stream.indirect.gather [hbm4b:s3+s14], $0x20, s28, s14, $0xb8;
	[tilespmem:$0xB800] =	vst v63  }
0x1a: {  	s30 =	simm.s32 $0x180  }
0x1b: {  	[tilespmem:s18], [sflag:$0x1] =	stream.indirect.gather [hbm4b:s3+s14], $0x20, s30, s14, $0xb8;
	[tilespmem:$0xB800] =	vst v63  }
0x1c: {  	s31 =	simm.s32 $0x200  }
0x1d: {  	[tilespmem:s19], [sflag:$0x1] =	stream.indirect.gather [hbm4b:s3+s14], $0x20, s31, s14, $0xb8;
	[tilespmem:$0xB800] =	vst v63  }
0x1e: {  	s26 =	simm.s32 $0x280  }
0x1f: {  	[tilespmem:s20], [sflag:$0x1] =	stream.indirect.gather [hbm4b:s3+s14], $0x20, s26, s14, $0xb8;
	[tilespmem:$0xB800] =	vst v63  }
0x20: {  	s28 =	simm.s32 $0x300  }
0x21: {  	[tilespmem:s21], [sflag:$0x1] =	stream.indirect.gather [hbm4b:s3+s14], $0x20, s28, s14, $0xb8;
	[tilespmem:$0xB800] =	vst v63  }
0x22: {  	s30 =	simm.s32 $0x380  }
0x23: {  	[tilespmem:s22], [sflag:$0x1] =	stream.indirect.gather [hbm4b:s3+s14], $0x20, s30, s14, $0xb8;
	[tilespmem:$0xB800] =	vst v63  }
0x24: {  	_ =	swait.ge [sflag:s23], $0x1000  }
0x25: {  	[sflag:s23] =	ssyncset.done $0x0  }
0x26: {  	[sflag:s23] =	ssyncadd.s32 $0xFFFFF000  }
0x27: {  	_ =	swait.ge [sflag:s23], $0x1000  }
0x28: {  	[sflag:s23] =	ssyncset.done $0x0  }
0x29: {  	[sflag:s23] =	ssyncadd.s32 $0xFFFFF000  }
0x2a: {  	_ =	swait.ge [sflag:s23], $0x1000  }
0x2b: {  	[sflag:s23] =	ssyncset.done $0x0  }
0x2c: {  	[sflag:s23] =	ssyncadd.s32 $0xFFFFF000  }
0x2d: {  	_ =	swait.ge [sflag:s23], $0x1000  }
0x2e: {  	[sflag:s23] =	ssyncset.done $0x0  }
0x2f: {  	[sflag:s23] =	ssyncadd.s32 $0xFFFFF000  }
0x30: {  	_ =	swait.ge [sflag:s23], $0x1000  }
0x31: {  	[sflag:s23] =	ssyncset.done $0x0  }
0x32: {  	[sflag:s23] =	ssyncadd.s32 $0xFFFFF000  }
0x33: {  	_ =	swait.ge [sflag:s23], $0x1000  }
0x34: {  	[sflag:s23] =	ssyncset.done $0x0  }
0x35: {  	[sflag:s23] =	ssyncadd.s32 $0xFFFFF000  }
0x36: {  	_ =	swait.ge [sflag:s23], $0x1000  }
0x37: {  	[sflag:s23] =	ssyncset.done $0x0  }
0x38: {  	[sflag:s23] =	ssyncadd.s32 $0xFFFFF000  }
0x39: {  	_ =	swait.ge [sflag:s23], $0x1000  }
0x3a: {  	[sflag:s23] =	ssyncset.done $0x0  }
0x3b: {  	s31 =	sadd.s32 $0x0, s12;
	[sflag:s23] =	ssyncadd.s32 $0xFFFFF000  }
0x3c: {  	[hbm4b:s31+s2] =	stream.linear.scatter [tilespmem:s15], [sflag:$0x2], $0x8000, $0x38;
	[tilespmem:$0xB800] =	vst v63  }
0x3d: {  	_ =	swait.ge [sflag:s13], $0x8000  }
0x3e: {  	s29 =	simm.s32 $0x2000;
	s25 =	simm.s32 $0x1000;
	[sflag:s13] =	ssyncset.done $0x0  }
.LBB2_2:
0x3f: {  	s30 =	sshra.s32 s25, $0x2  }
0x40: {  	[sflag:s13] =	ssyncadd.s32 $0xFFFF8000;
	s28 =	smov.u32 s29;
	s26 =	sadd.s32 $0x1000, s29  }
0x41: {  	[tilespmem:s15], [sflag:$0x1] =	stream.indirect.gather [hbm4b:s3+s14], $0x20, s30, s14, $0xb8;
	[tilespmem:$0xB800] =	vst v63  }
0x42: {  	p0 =	sne.s32 s29, $0xD000;
	s29 =	sadd.s32 $0x80, s30  }
0x43: {  	[tilespmem:s16], [sflag:$0x1] =	stream.indirect.gather [hbm4b:s3+s14], $0x20, s29, s14, $0xb8;
	[tilespmem:$0xB800] =	vst v63  }
0x44: {  	s29 =	sadd.s32 $0x100, s30  }
0x45: {  	[tilespmem:s17], [sflag:$0x1] =	stream.indirect.gather [hbm4b:s3+s14], $0x20, s29, s14, $0xb8;
	[tilespmem:$0xB800] =	vst v63  }
0x46: {  	s29 =	sadd.s32 $0x180, s30  }
0x47: {  	[tilespmem:s18], [sflag:$0x1] =	stream.indirect.gather [hbm4b:s3+s14], $0x20, s29, s14, $0xb8;
	[tilespmem:$0xB800] =	vst v63  }
0x48: {  	s29 =	sadd.s32 $0x200, s30  }
0x49: {  	[tilespmem:s19], [sflag:$0x1] =	stream.indirect.gather [hbm4b:s3+s14], $0x20, s29, s14, $0xb8;
	[tilespmem:$0xB800] =	vst v63  }
0x4a: {  	s29 =	sadd.s32 $0x280, s30  }
0x4b: {  	[tilespmem:s20], [sflag:$0x1] =	stream.indirect.gather [hbm4b:s3+s14], $0x20, s29, s14, $0xb8;
	[tilespmem:$0xB800] =	vst v63  }
0x4c: {  	s29 =	sadd.s32 $0x300, s30  }
0x4d: {  	[tilespmem:s21], [sflag:$0x1] =	stream.indirect.gather [hbm4b:s3+s14], $0x20, s29, s14, $0xb8;
	[tilespmem:$0xB800] =	vst v63  }
0x4e: {  	s29 =	sadd.s32 $0x380, s30  }
0x4f: {  	[tilespmem:s22], [sflag:$0x1] =	stream.indirect.gather [hbm4b:s3+s14], $0x20, s29, s14, $0xb8;
	[tilespmem:$0xB800] =	vst v63  }
0x50: {  	_ =	swait.ge [sflag:s23], $0x1000  }
0x51: {  	[sflag:s23] =	ssyncset.done $0x0  }
0x52: {  	[sflag:s23] =	ssyncadd.s32 $0xFFFFF000  }
0x53: {  	_ =	swait.ge [sflag:s23], $0x1000  }
0x54: {  	[sflag:s23] =	ssyncset.done $0x0  }
0x55: {  	[sflag:s23] =	ssyncadd.s32 $0xFFFFF000  }
0x56: {  	_ =	swait.ge [sflag:s23], $0x1000  }
0x57: {  	[sflag:s23] =	ssyncset.done $0x0  }
0x58: {  	[sflag:s23] =	ssyncadd.s32 $0xFFFFF000  }
0x59: {  	_ =	swait.ge [sflag:s23], $0x1000  }
0x5a: {  	[sflag:s23] =	ssyncset.done $0x0  }
0x5b: {  	[sflag:s23] =	ssyncadd.s32 $0xFFFFF000  }
0x5c: {  	_ =	swait.ge [sflag:s23], $0x1000  }
0x5d: {  	[sflag:s23] =	ssyncset.done $0x0  }
0x5e: {  	[sflag:s23] =	ssyncadd.s32 $0xFFFFF000  }
0x5f: {  	_ =	swait.ge [sflag:s23], $0x1000  }
0x60: {  	[sflag:s23] =	ssyncset.done $0x0  }
0x61: {  	[sflag:s23] =	ssyncadd.s32 $0xFFFFF000  }
0x62: {  	_ =	swait.ge [sflag:s23], $0x1000  }
0x63: {  	[sflag:s23] =	ssyncset.done $0x0  }
0x64: {  	[sflag:s23] =	ssyncadd.s32 $0xFFFFF000  }
0x65: {  	_ =	swait.ge [sflag:s23], $0x1000  }
.Ltmp0:
0x66: {  	[sflag:s23] =	ssyncset.done $0x0;
	(pc) =	sbr.rel @p0 .LBB2_2-.Ltmp0, $4  }
0x67: {  	s29 =	sadd.s32 s25, s12;
	s25 =	smov.u32 s28;
	[sflag:s23] =	ssyncadd.s32 $0xFFFFF000  }
0x68: {  	[hbm4b:s29+s2] =	stream.linear.scatter [tilespmem:s15], [sflag:$0x2], $0x8000, $0x38;
	[tilespmem:$0xB800] =	vst v63  }
0x69: {  	_ =	swait.ge [sflag:s13], $0x8000  }
0x6a: {  	s29 =	smov.u32 s26;
	[sflag:s13] =	ssyncset.done $0x0  }
0x6b: {  	s26 =	sshra.s32 s25, $0x2;
	[sflag:s13] =	ssyncadd.s32 $0xFFFF8000  }
0x6c: {  	[tilespmem:s15], [sflag:$0x1] =	stream.indirect.gather [hbm4b:s3+s14], $0x20, s26, s14, $0xb8;
	[tilespmem:$0xB800] =	vst v63  }
0x6d: {  	s28 =	sadd.s32 $0x80, s26  }
0x6e: {  	[tilespmem:s16], [sflag:$0x1] =	stream.indirect.gather [hbm4b:s3+s14], $0x20, s28, s14, $0xb8;
	[tilespmem:$0xB800] =	vst v63  }
0x6f: {  	s29 =	sadd.s32 $0x100, s26  }
0x70: {  	[tilespmem:s17], [sflag:$0x1] =	stream.indirect.gather [hbm4b:s3+s14], $0x20, s29, s14, $0xb8;
	[tilespmem:$0xB800] =	vst v63  }
0x71: {  	s30 =	sadd.s32 $0x180, s26  }
0x72: {  	[tilespmem:s18], [sflag:$0x1] =	stream.indirect.gather [hbm4b:s3+s14], $0x20, s30, s14, $0xb8;
	[tilespmem:$0xB800] =	vst v63  }
0x73: {  	s31 =	sadd.s32 $0x200, s26  }
0x74: {  	[tilespmem:s19], [sflag:$0x1] =	stream.indirect.gather [hbm4b:s3+s14], $0x20, s31, s14, $0xb8;
	[tilespmem:$0xB800] =	vst v63  }
0x75: {  	s29 =	sadd.s32 $0x280, s26  }
0x76: {  	[tilespmem:s20], [sflag:$0x1] =	stream.indirect.gather [hbm4b:s3+s14], $0x20, s29, s14, $0xb8;
	[tilespmem:$0xB800] =	vst v63  }
0x77: {  	s30 =	sadd.s32 $0x300, s26  }
0x78: {  	[tilespmem:s21], [sflag:$0x1] =	stream.indirect.gather [hbm4b:s3+s14], $0x20, s30, s14, $0xb8;
	[tilespmem:$0xB800] =	vst v63  }
0x79: {  	s26 =	sadd.s32 $0x380, s26  }
0x7a: {  	[tilespmem:s22], [sflag:$0x1] =	stream.indirect.gather [hbm4b:s3+s14], $0x20, s26, s14, $0xb8;
	[tilespmem:$0xB800] =	vst v63  }
0x7b: {  	_ =	swait.ge [sflag:s23], $0x1000  }
0x7c: {  	[sflag:s23] =	ssyncset.done $0x0  }
0x7d: {  	[sflag:s23] =	ssyncadd.s32 $0xFFFFF000  }
0x7e: {  	_ =	swait.ge [sflag:s23], $0x1000  }
0x7f: {  	[sflag:s23] =	ssyncset.done $0x0  }
0x80: {  	[sflag:s23] =	ssyncadd.s32 $0xFFFFF000  }
0x81: {  	_ =	swait.ge [sflag:s23], $0x1000  }
0x82: {  	[sflag:s23] =	ssyncset.done $0x0  }
0x83: {  	[sflag:s23] =	ssyncadd.s32 $0xFFFFF000  }
0x84: {  	_ =	swait.ge [sflag:s23], $0x1000  }
0x85: {  	[sflag:s23] =	ssyncset.done $0x0  }
0x86: {  	[sflag:s23] =	ssyncadd.s32 $0xFFFFF000  }
0x87: {  	_ =	swait.ge [sflag:s23], $0x1000  }
0x88: {  	[sflag:s23] =	ssyncset.done $0x0  }
0x89: {  	[sflag:s23] =	ssyncadd.s32 $0xFFFFF000  }
0x8a: {  	_ =	swait.ge [sflag:s23], $0x1000  }
0x8b: {  	[sflag:s23] =	ssyncset.done $0x0  }
0x8c: {  	[sflag:s23] =	ssyncadd.s32 $0xFFFFF000  }
0x8d: {  	_ =	swait.ge [sflag:s23], $0x1000  }
0x8e: {  	[sflag:s23] =	ssyncset.done $0x0  }
0x8f: {  	[sflag:s23] =	ssyncadd.s32 $0xFFFFF000  }
0x90: {  	_ =	swait.ge [sflag:s23], $0x1000  }
0x91: {  	[sflag:s23] =	ssyncset.done $0x0  }
0x92: {  	s31 =	sadd.s32 s25, s12;
	[sflag:s23] =	ssyncadd.s32 $0xFFFFF000  }
0x93: {  	[hbm4b:s31+s2] =	stream.linear.scatter [tilespmem:s15], [sflag:$0x2], $0x8000, $0x38;
	[tilespmem:$0xB800] =	vst v63  }
0x94: {  	_ =	swait.ge [sflag:s13], $0x8000  }
0x95: {  	[sflag:s13] =	ssyncset.done $0x0  }
0x96: {  	[sflag:s13] =	ssyncadd.s32 $0xFFFF8000  }
0x97: {  	[tilespmem:s2], [sflag:$0x2] =	stream.linear.gather [hbm4b:s7+s2], $0x100, $0x38;
	[tilespmem:$0xB800] =	vst v63  }
0x98: {  	_ =	swait.ge [sflag:s13], $0x100  }
0x99: {  	[sflag:s13] =	ssyncset.done $0x0  }
0x9a: {  	[sflag:s13] =	ssyncadd.s32 $0xFFFFFF00  }
0x9b: {  	[tilespmem:s15], [sflag:$0x1] =	stream.indirect.gather [hbm4b:s4+s14], $0x20, s2, s14, $0xb8;
	[tilespmem:$0xB800] =	vst v63  }
0x9c: {  	_ = 	snop  }
0x9d: {  	[tilespmem:s16], [sflag:$0x1] =	stream.indirect.gather [hbm4b:s4+s14], $0x20, s14, s14, $0xb8;
	[tilespmem:$0xB800] =	vst v63  }
0x9e: {  	_ =	swait.ge [sflag:s23], $0x1000  }
0x9f: {  	[sflag:s23] =	ssyncset.done $0x0  }
0xa0: {  	[sflag:s23] =	ssyncadd.s32 $0xFFFFF000  }
0xa1: {  	_ =	swait.ge [sflag:s23], $0x1000  }
0xa2: {  	[sflag:s23] =	ssyncset.done $0x0  }
0xa3: {  	[sflag:s23] =	ssyncadd.s32 $0xFFFFF000  }
0xa4: {  	[hbm4b:s8+s2] =	stream.linear.scatter [tilespmem:s15], [sflag:$0x2], $0x2000, $0x38;
	[tilespmem:$0xB800] =	vst v63  }
0xa5: {  	_ =	swait.ge [sflag:s13], $0x2000  }
0xa6: {  	[sflag:s13] =	ssyncset.done $0x0  }
0xa7: {  	[sflag:s13] =	ssyncadd.s32 $0xFFFFE000  }
0xa8: {  	[tilespmem:s2], [sflag:$0x2] =	stream.linear.gather [hbm4b:s9+s2], $0x100, $0x38;
	[tilespmem:$0xB800] =	vst v63  }
0xa9: {  	_ =	swait.ge [sflag:s13], $0x100  }
0xaa: {  	[sflag:s13] =	ssyncset.done $0x0  }
0xab: {  	[sflag:s13] =	ssyncadd.s32 $0xFFFFFF00  }
0xac: {  	[tilespmem:s15], [sflag:$0x1] =	stream.indirect.gather [hbm4b:s5+s14], $0x20, s2, s14, $0xb8;
	[tilespmem:$0xB800] =	vst v63  }
0xad: {  	_ = 	snop  }
0xae: {  	[tilespmem:s16], [sflag:$0x1] =	stream.indirect.gather [hbm4b:s5+s14], $0x20, s14, s14, $0xb8;
	[tilespmem:$0xB800] =	vst v63  }
0xaf: {  	_ =	swait.ge [sflag:s23], $0x1000  }
0xb0: {  	[sflag:s23] =	ssyncset.done $0x0  }
0xb1: {  	[sflag:s23] =	ssyncadd.s32 $0xFFFFF000  }
0xb2: {  	s24 =	sadd.s32 $0x1, s24;
	_ =	swait.ge [sflag:s23], $0x1000  }
0xb3: {  	p0 =	sne.s32 s24, s11;
	[sflag:s23] =	ssyncset.done $0x0  }
.Ltmp1:
0xb4: {  	[sflag:s23] =	ssyncadd.s32 $0xFFFFF000;
	(pc) =	sbr.rel @p0 .LBB2_1-.Ltmp1, $4  }
0xb5: {  	[hbm4b:s10+s2] =	stream.linear.scatter [tilespmem:s15], [sflag:$0x2], $0x2000, $0x38;
	[tilespmem:$0xB800] =	vst v63  }
0xb6: {  	_ =	swait.ge [sflag:s13], $0x2000  }
0xb7: {  	[sflag:s13] =	ssyncset.done $0x0  }
0xb8: {  	[sflag:s13] =	ssyncadd.s32 $0xFFFFE000  }
0xb9: {  	_ =	sfence.sel $0x180000  }
0xba: {  	[bflag:$0x0] =	sbarrier.arrive $0xFFFF  }
0xbb: {  	p0 =	sne.s32 s0, $0x0;
	_ =	strace $0x9000004A  }
0xbc: {  	s0 =	sadd.s32 @!p0 $0x100000, s1;
	[bflag:$0x2] =	sbarrier.arrive $0xFFFF  }
0xbd: {  	[sflag:s0] =	ssyncadd.tile.s32 @!p0 $0x1;
	_ =	shalt  }
.Lfunc_end2:
_tile_overlayer_lowered:
.L_overlay_start_2:
0xbe: {  	(tag) =	ssettag $0x2  }
0xbf: {  	s0 =	rddreg [dreg:$0x0];
	s2 =	stileid.u32  }
0xc0: {  	s1 =	rddreg [dreg:$0x1];
	p0 =	sne.s32 s2, $0x0  }
0xc1: {  	s3 =	rddreg [dreg:$0x2];
	[bflag:$0x3] =	sbarrier.arrive $0xFFFF;
	s2 =	simm.s32 @!p0 $0x1C02  }
0xc2: {  	[timem:s3], [sflag:s2] =	dma.local @!p0 [hbm:s0], s1  }
0xc3: {  	s0 =	simm.s32 @!p0 $0x2  }
0xc4: {  	_ =	swait.ge @!p0 [sflag:s0], s1  }
0xc5: {  	s1 =	ssub.s32 @!p0 $0x0, s1;
	[sflag:s0] =	ssyncset.done @!p0 $0x0  }
0xc6: {  	[sflag:s0] =	ssyncadd.s32 @!p0 s1  }
0xc7: {  	[bflag:$0x3] =	sbarrier.arrive $0xFFFF  }
0xc8: {  	_ =	shalt  }

</sc_bundles>
